<compile_context>
chip_gen: v7x
topology: tpu7x:2x2x1
jax: 0.10.2.dev20260603
libtpu: 0.0.44.dev20260713+nightly
codegen_flags: <defaults>
</compile_context>

<pallas_src>
import functools

import jax
import jax.numpy as jnp
from jax import lax
from jax.experimental import pallas as pl
from jax.experimental.pallas import tpu as pltpu
from jax.experimental.pallas import tpu_sc as plsc

B = 1024
L = 200
D = 16
H = 3 * D

_NC = 2
_NS = 16
_NW = _NC * _NS
_BPW = B // _NW

def _sc_embed_body(content_hbm, pinyin_hbm, stroke_hbm, wt_hbm, pt_hbm, st_hbm,
                   score_hbm, cidx, rows, slab, pidx, sidx, prow, srow, sem):
    wid = lax.axis_index("s") * _NC + lax.axis_index("c")
    base = wid * _BPW
    pltpu.sync_copy(content_hbm.at[pl.ds(base * L, _BPW * L)], cidx)
    pltpu.sync_copy(pinyin_hbm.at[pl.ds(base, _BPW)], pidx)
    pltpu.sync_copy(stroke_hbm.at[pl.ds(base, _BPW)], sidx)
    cp = pltpu.async_copy(pt_hbm.at[pidx], prow, sem)
    cs = pltpu.async_copy(st_hbm.at[sidx], srow, sem)

    col_ids = lax.iota(jnp.int32, 16)

    def body(i, carry):
        off = pl.multiple_of(i * L, 8)
        c1 = pltpu.async_copy(
            wt_hbm.at[cidx.at[pl.ds(off, 128)]], rows.at[pl.ds(0, 128)], sem)
        c2 = pltpu.async_copy(
            wt_hbm.at[cidx.at[pl.ds(off + 128, L - 128)]],
            rows.at[pl.ds(128, L - 128)], sem)
        c1.wait()
        c2.wait()
        a0, a1, a2, a3 = rows[0], rows[1], rows[2], rows[3]
        for j in range(4, L, 4):
            a0 += rows[j]
            a1 += rows[j + 1]
            a2 += rows[j + 2]
            a3 += rows[j + 3]
        acc = (a0 + a1) + (a2 + a3)
        slab[pl.ds(pl.multiple_of(i * H, 16), D)] = acc
        return carry

    lax.fori_loop(0, _BPW, body, 0)

    cp.wait()
    cs.wait()
    for i in range(_BPW):
        slab[pl.ds(i * H + D, D)] = prow[i]
        slab[pl.ds(i * H + 2 * D, D)] = srow[i]

    pltpu.sync_copy(slab, score_hbm.at[pl.ds(base * H, _BPW * H)])


@functools.cache
def _sc_embed():
    mesh = plsc.VectorSubcoreMesh(core_axis_name="c", subcore_axis_name="s",
                                  num_cores=_NC, num_subcores=_NS)
    return pl.kernel(
        _sc_embed_body,
        mesh=mesh,
        out_type=jax.ShapeDtypeStruct((B * H,), jnp.float32),
        scratch_types=[
            pltpu.VMEM((_BPW * L,), jnp.int32),
            pltpu.VMEM((L, D), jnp.float32),
            pltpu.VMEM((_BPW * H,), jnp.float32),
            pltpu.VMEM((_BPW,), jnp.int32),
            pltpu.VMEM((_BPW,), jnp.int32),
            pltpu.VMEM((_BPW, D), jnp.float32),
            pltpu.VMEM((_BPW, D), jnp.float32),
            pltpu.SemaphoreType.DMA,
        ],
        compiler_params=pltpu.CompilerParams(use_tc_tiling_on_sc=False),
    )


_VB = 2048


def _tc_body(x_ref, w1_ref, b1_ref, w2_ref, b2_ref, w3_ref, b3_ref,
             out_ref, h2_scr):
    @pl.when(pl.program_id(0) == 0)
    def _():
        h1 = jnp.maximum(
            jnp.dot(x_ref[...], w1_ref[...],
                    preferred_element_type=jnp.float32) + b1_ref[...], 0.0)
        h2 = jnp.maximum(
            jnp.dot(h1, w2_ref[...],
                    preferred_element_type=jnp.float32) + b2_ref[...], 0.0)
        h2_scr[...] = h2

    out_ref[...] = jnp.dot(h2_scr[...], w3_ref[...],
                           preferred_element_type=jnp.float32) + b3_ref[...]


def _tc_head(score, W1, b1, W2, b2, W3, b3):
    V = W3.shape[1]
    nvb = pl.cdiv(V, _VB)
    return pl.pallas_call(
        _tc_body,
        grid=(nvb,),
        in_specs=[
            pl.BlockSpec((B, H), lambda j: (0, 0)),
            pl.BlockSpec((H, H), lambda j: (0, 0)),
            pl.BlockSpec((1, H), lambda j: (0, 0)),
            pl.BlockSpec((H, H), lambda j: (0, 0)),
            pl.BlockSpec((1, H), lambda j: (0, 0)),
            pl.BlockSpec((H, _VB), lambda j: (0, j)),
            pl.BlockSpec((1, _VB), lambda j: (0, j)),
        ],
        out_specs=pl.BlockSpec((B, _VB), lambda j: (0, j)),
        out_shape=jax.ShapeDtypeStruct((B, V), jnp.float32),
        scratch_shapes=[pltpu.VMEM((B, H), jnp.float32)],
        compiler_params=pltpu.CompilerParams(
            dimension_semantics=("arbitrary",)),
    )(score, W1, b1, W2, b2, W3, b3)


def kernel(content, pinyin, stroke, word_table, py_table, stroke_table,
           W1, b1, W2, b2, W3, b3):
    score = _sc_embed()(content.reshape(-1), pinyin, stroke,
                        word_table, py_table, stroke_table).reshape(B, H)
    return _tc_head(score, W1, b1.reshape(1, H), W2, b2.reshape(1, H),
                    W3, b3.reshape(1, -1))

# --- scband reference (transcript-rebuilt; emitter-appended) ---
"""Pipeline reference for scband-custom-w2v-model-13039520710850 (READ-ONLY COPY).

The authoritative reference and input builder live on the scoring server;
editing this copy changes nothing except your own understanding.
"""

import jax, jax.numpy as jnp
import numpy as np

B = 1024
L = 200
V = 100000
PY = 1000
ST = 1000
D = 16
H = 3 * D


def setup_inputs(seed: int = 0) -> dict:
    key = jax.random.key(seed)
    ks = jax.random.split(key, 12)
    initrange = 0.5 / D
    inp = {}
    inp["content"] = jax.random.randint(ks[0], (B, L), 0, V, dtype=jnp.int32)
    inp["pinyin"] = jax.random.randint(ks[1], (B,), 0, PY, dtype=jnp.int32)
    inp["stroke"] = jax.random.randint(ks[2], (B,), 0, ST, dtype=jnp.int32)
    inp["word_table"] = jax.random.uniform(ks[3], (V, D), minval=-initrange, maxval=initrange, dtype=jnp.float32)
    inp["py_table"] = jax.random.uniform(ks[4], (PY, D), minval=-initrange, maxval=initrange, dtype=jnp.float32)
    inp["stroke_table"] = jax.random.uniform(ks[5], (ST, D), minval=-initrange, maxval=initrange, dtype=jnp.float32)
    bnd1 = 1.0 / np.sqrt(H)
    inp["W1"] = jax.random.uniform(ks[6], (H, H), minval=-bnd1, maxval=bnd1, dtype=jnp.float32)
    inp["b1"] = jax.random.uniform(ks[7], (H,), minval=-bnd1, maxval=bnd1, dtype=jnp.float32)
    inp["W2"] = jax.random.uniform(ks[8], (H, H), minval=-bnd1, maxval=bnd1, dtype=jnp.float32)
    inp["b2"] = jax.random.uniform(ks[9], (H,), minval=-bnd1, maxval=bnd1, dtype=jnp.float32)
    inp["W3"] = jax.random.uniform(ks[10], (H, V), minval=-bnd1, maxval=bnd1, dtype=jnp.float32)
    inp["b3"] = jax.random.uniform(ks[11], (V,), minval=-bnd1, maxval=bnd1, dtype=jnp.float32)
    return inp


def reference(content, pinyin, stroke, word_table, py_table, stroke_table, W1, b1, W2, b2, W3, b3):
    # word bag: gather L rows per example, sum over the window (CBOW-style)
    word_emb = jnp.sum(jnp.take(word_table, content, axis=0), axis=1)  # [B, D]
    pinyin_emb = jnp.take(py_table, pinyin, axis=0)                    # [B, D]
    stroke_emb = jnp.take(stroke_table, stroke, axis=0)                # [B, D]
    score = jnp.concatenate([word_emb, pinyin_emb, stroke_emb], axis=1)  # [B, 3D]
    score = jax.nn.relu(score @ W1 + b1)
    score = jax.nn.relu(score @ W2 + b2)
    return score @ W3 + b3  # [B, V]

if __name__ == "__main__":
    import jax
    _d = setup_inputs()
    print(jax.jit(kernel)(*tuple(_d.values())))

</pallas_src>

<mosaic_0001>
#map = affine_map<(d0, d1) -> (0)>
#map1 = affine_map<(d0, d1) -> (0, 0)>
module attributes {stable_mosaic.version = 14 : i64} {
  func.func @_sc_embed_body(%arg0: i32, %arg1: i32, %arg2: memref<204800xi32, #tpu.memory_space<hbm>>, %arg3: memref<1024xi32, #tpu.memory_space<hbm>>, %arg4: memref<1024xi32, #tpu.memory_space<hbm>>, %arg5: memref<100000x16xf32, #tpu.memory_space<hbm>>, %arg6: memref<1000x16xf32, #tpu.memory_space<hbm>>, %arg7: memref<1000x16xf32, #tpu.memory_space<hbm>>, %arg8: memref<49152xf32, #tpu.memory_space<hbm>>, %arg9: memref<6400xi32, #tpu.memory_space<vmem>>, %arg10: memref<200x16xf32, #tpu.memory_space<vmem>>, %arg11: memref<1536xf32, #tpu.memory_space<vmem>>, %arg12: memref<32xi32, #tpu.memory_space<vmem>>, %arg13: memref<32xi32, #tpu.memory_space<vmem>>, %arg14: memref<32x16xf32, #tpu.memory_space<vmem>>, %arg15: memref<32x16xf32, #tpu.memory_space<vmem>>, %arg16: memref<!tpu.dma_semaphore, #tpu.memory_space<semaphore_mem>>) attributes {dimension_semantics = [#tpu.dimension_semantics<core_parallel>, #tpu.dimension_semantics<subcore_parallel>], iteration_bounds = array<i64: 2, 16>, scalar_prefetch = 0 : i64, scratch_operands = 8 : i64, tpu.core_type = #tpu.core_type<sc_vector_subcore>, window_params = [{transform_indices = #map}, {transform_indices = #map}, {transform_indices = #map}, {transform_indices = #map1}, {transform_indices = #map1}, {transform_indices = #map1}, {transform_indices = #map}]} {
    %mul3A = arith.constant 2 : i32
    %mul3A_0 = arith.muli %arg1, %mul3A : i32
    %add3A = arith.addi %mul3A_0, %arg0 : i32
    %mul3A_1 = arith.constant 32 : i32
    %mul3A_2 = arith.muli %add3A, %mul3A_1 : i32
    %mul3A_3 = arith.constant 200 : i32
    %mul3A_4 = arith.muli %mul3A_2, %mul3A_3 : i32
    "tpu.region"() ({
      %run_scoped3A = tpu.sem_alloc : memref<!tpu.dma_semaphore, #tpu.memory_space<semaphore_mem>>
      %dma_start3A_596 = tpu.memref_slice %arg2[%mul3A_4] : memref<204800xi32, #tpu.memory_space<hbm>> -> memref<6400xi32, #tpu.memory_space<hbm>>
      %dma_start3A_597 = tpu.memref_slice %arg2[%mul3A_4] : memref<204800xi32, #tpu.memory_space<hbm>> -> memref<6400xi32, #tpu.memory_space<hbm>>
      tpu.enqueue_dma source(%dma_start3A_597 : memref<6400xi32, #tpu.memory_space<hbm>>) target(%arg9 : memref<6400xi32, #tpu.memory_space<vmem>>) target_semaphore(%run_scoped3A : memref<!tpu.dma_semaphore, #tpu.memory_space<semaphore_mem>>)
      %dma_wait3A_598 = tpu.memref_slice %arg2[%mul3A_4] : memref<204800xi32, #tpu.memory_space<hbm>> -> memref<6400xi32, #tpu.memory_space<hbm>>
      %dma_wait3A_599 = tpu.memref_slice %arg2[%mul3A_4] : memref<204800xi32, #tpu.memory_space<hbm>> -> memref<6400xi32, #tpu.memory_space<hbm>>
      tpu.wait_dma2 semaphore(%run_scoped3A : memref<!tpu.dma_semaphore, #tpu.memory_space<semaphore_mem>>) src(%dma_wait3A_599 : memref<6400xi32, #tpu.memory_space<hbm>>) dst(%arg9 : memref<6400xi32, #tpu.memory_space<vmem>>)
      tpu.yield
    }) : () -> ()
    "tpu.region"() ({
      %run_scoped3A = tpu.sem_alloc : memref<!tpu.dma_semaphore, #tpu.memory_space<semaphore_mem>>
      %dma_start3A_596 = tpu.memref_slice %arg3[%mul3A_2] : memref<1024xi32, #tpu.memory_space<hbm>> -> memref<32xi32, #tpu.memory_space<hbm>>
      %dma_start3A_597 = tpu.memref_slice %arg3[%mul3A_2] : memref<1024xi32, #tpu.memory_space<hbm>> -> memref<32xi32, #tpu.memory_space<hbm>>
      tpu.enqueue_dma source(%dma_start3A_597 : memref<32xi32, #tpu.memory_space<hbm>>) target(%arg12 : memref<32xi32, #tpu.memory_space<vmem>>) target_semaphore(%run_scoped3A : memref<!tpu.dma_semaphore, #tpu.memory_space<semaphore_mem>>)
      %dma_wait3A_598 = tpu.memref_slice %arg3[%mul3A_2] : memref<1024xi32, #tpu.memory_space<hbm>> -> memref<32xi32, #tpu.memory_space<hbm>>
      %dma_wait3A_599 = tpu.memref_slice %arg3[%mul3A_2] : memref<1024xi32, #tpu.memory_space<hbm>> -> memref<32xi32, #tpu.memory_space<hbm>>
      tpu.wait_dma2 semaphore(%run_scoped3A : memref<!tpu.dma_semaphore, #tpu.memory_space<semaphore_mem>>) src(%dma_wait3A_599 : memref<32xi32, #tpu.memory_space<hbm>>) dst(%arg12 : memref<32xi32, #tpu.memory_space<vmem>>)
      tpu.yield
    }) : () -> ()
    "tpu.region"() ({
      %run_scoped3A = tpu.sem_alloc : memref<!tpu.dma_semaphore, #tpu.memory_space<semaphore_mem>>
      %dma_start3A_596 = tpu.memref_slice %arg4[%mul3A_2] : memref<1024xi32, #tpu.memory_space<hbm>> -> memref<32xi32, #tpu.memory_space<hbm>>
      %dma_start3A_597 = tpu.memref_slice %arg4[%mul3A_2] : memref<1024xi32, #tpu.memory_space<hbm>> -> memref<32xi32, #tpu.memory_space<hbm>>
      tpu.enqueue_dma source(%dma_start3A_597 : memref<32xi32, #tpu.memory_space<hbm>>) target(%arg13 : memref<32xi32, #tpu.memory_space<vmem>>) target_semaphore(%run_scoped3A : memref<!tpu.dma_semaphore, #tpu.memory_space<semaphore_mem>>)
      %dma_wait3A_598 = tpu.memref_slice %arg4[%mul3A_2] : memref<1024xi32, #tpu.memory_space<hbm>> -> memref<32xi32, #tpu.memory_space<hbm>>
      %dma_wait3A_599 = tpu.memref_slice %arg4[%mul3A_2] : memref<1024xi32, #tpu.memory_space<hbm>> -> memref<32xi32, #tpu.memory_space<hbm>>
      tpu.wait_dma2 semaphore(%run_scoped3A : memref<!tpu.dma_semaphore, #tpu.memory_space<semaphore_mem>>) src(%dma_wait3A_599 : memref<32xi32, #tpu.memory_space<hbm>>) dst(%arg13 : memref<32xi32, #tpu.memory_space<vmem>>)
      tpu.yield
    }) : () -> ()
    %dma_start3A = arith.constant 0 : i32
    %dma_start3A_5 = arith.constant 0 : i32
    %dma_start3A_6 = tpu.memref_slice %arg6[%dma_start3A, %dma_start3A_5] : memref<1000x16xf32, #tpu.memory_space<hbm>> -> memref<1000x16xf32, #tpu.memory_space<hbm>>
    tpu.enqueue_indirect_dma source(%dma_start3A_6 : memref<1000x16xf32, #tpu.memory_space<hbm>>) target(%arg14 : memref<32x16xf32, #tpu.memory_space<vmem>>) offsets(%arg12 : memref<32xi32, #tpu.memory_space<vmem>>) semaphore(%arg16 : memref<!tpu.dma_semaphore, #tpu.memory_space<semaphore_mem>>)
    %dma_start3A_7 = arith.constant 0 : i32
    %dma_start3A_8 = arith.constant 0 : i32
    %dma_start3A_9 = tpu.memref_slice %arg7[%dma_start3A_7, %dma_start3A_8] : memref<1000x16xf32, #tpu.memory_space<hbm>> -> memref<1000x16xf32, #tpu.memory_space<hbm>>
    tpu.enqueue_indirect_dma source(%dma_start3A_9 : memref<1000x16xf32, #tpu.memory_space<hbm>>) target(%arg15 : memref<32x16xf32, #tpu.memory_space<vmem>>) offsets(%arg13 : memref<32xi32, #tpu.memory_space<vmem>>) semaphore(%arg16 : memref<!tpu.dma_semaphore, #tpu.memory_space<semaphore_mem>>)
    %iota3A = tpu.iota {dimensions = array<i32: 0>} : vector<16xi32>
    %scan3A = arith.constant 0 : i32
    %scan3A_10 = arith.constant 0 : i32
    %scan3A_11 = arith.constant 32 : i32
    %scan3A_12 = arith.addi %scan3A_10, %scan3A_11 : i32
    %scan3A_13 = arith.constant 1 : i32
    scf.for %scan3A_596 = %scan3A_10 to %scan3A_12 step %scan3A_13  : i32 {
      %mul3A_597 = arith.constant 200 : i32
      %mul3A_598 = arith.muli %scan3A_596, %mul3A_597 : i32
      %multiple_of3A = tpu.assume_multiple %mul3A_598, 8 : i32
      %dma_start3A_599 = arith.constant 0 : i32
      %dma_start3A_600 = arith.constant 0 : i32
      %dma_start3A_601 = tpu.memref_slice %arg10[%dma_start3A_599, %dma_start3A_600] : memref<200x16xf32, #tpu.memory_space<vmem>> -> memref<128x16xf32, #tpu.memory_space<vmem>>
      %dma_start3A_602 = tpu.memref_slice %arg9[%multiple_of3A] : memref<6400xi32, #tpu.memory_space<vmem>> -> memref<128xi32, #tpu.memory_space<vmem>>
      %dma_start3A_603 = arith.constant 0 : i32
      %dma_start3A_604 = arith.constant 0 : i32
      %dma_start3A_605 = tpu.memref_slice %arg5[%dma_start3A_603, %dma_start3A_604] : memref<100000x16xf32, #tpu.memory_space<hbm>> -> memref<100000x16xf32, #tpu.memory_space<hbm>>
      tpu.enqueue_indirect_dma source(%dma_start3A_605 : memref<100000x16xf32, #tpu.memory_space<hbm>>) target(%dma_start3A_601 : memref<128x16xf32, #tpu.memory_space<vmem>>) offsets(%dma_start3A_602 : memref<128xi32, #tpu.memory_space<vmem>>) semaphore(%arg16 : memref<!tpu.dma_semaphore, #tpu.memory_space<semaphore_mem>>)
      %add3A_606 = arith.constant 128 : i32
      %add3A_607 = arith.addi %multiple_of3A, %add3A_606 : i32
      %dma_start3A_608 = arith.constant 128 : i32
      %dma_start3A_609 = arith.constant 0 : i32
      %dma_start3A_610 = tpu.memref_slice %arg10[%dma_start3A_608, %dma_start3A_609] : memref<200x16xf32, #tpu.memory_space<vmem>> -> memref<72x16xf32, #tpu.memory_space<vmem>>
      %dma_start3A_611 = tpu.memref_slice %arg9[%add3A_607] : memref<6400xi32, #tpu.memory_space<vmem>> -> memref<72xi32, #tpu.memory_space<vmem>>
      %dma_start3A_612 = arith.constant 0 : i32
      %dma_start3A_613 = arith.constant 0 : i32
      %dma_start3A_614 = tpu.memref_slice %arg5[%dma_start3A_612, %dma_start3A_613] : memref<100000x16xf32, #tpu.memory_space<hbm>> -> memref<100000x16xf32, #tpu.memory_space<hbm>>
      tpu.enqueue_indirect_dma source(%dma_start3A_614 : memref<100000x16xf32, #tpu.memory_space<hbm>>) target(%dma_start3A_610 : memref<72x16xf32, #tpu.memory_space<vmem>>) offsets(%dma_start3A_611 : memref<72xi32, #tpu.memory_space<vmem>>) semaphore(%arg16 : memref<!tpu.dma_semaphore, #tpu.memory_space<semaphore_mem>>)
      %dma_wait3A_615 = arith.constant 0 : i32
      %dma_wait3A_616 = arith.constant 0 : i32
      %dma_wait3A_617 = tpu.memref_slice %arg10[%dma_wait3A_615, %dma_wait3A_616] : memref<200x16xf32, #tpu.memory_space<vmem>> -> memref<128x16xf32, #tpu.memory_space<vmem>>
      %dma_wait3A_618 = tpu.memref_slice %arg9[%multiple_of3A] : memref<6400xi32, #tpu.memory_space<vmem>> -> memref<128xi32, #tpu.memory_space<vmem>>
      %dma_wait3A_619 = arith.constant 0 : i32
      %dma_wait3A_620 = arith.constant 0 : i32
      %dma_wait3A_621 = tpu.memref_slice %arg5[%dma_wait3A_619, %dma_wait3A_620] : memref<100000x16xf32, #tpu.memory_space<hbm>> -> memref<100000x16xf32, #tpu.memory_space<hbm>>
      tpu.wait_indirect_dma semaphore(%arg16 : memref<!tpu.dma_semaphore, #tpu.memory_space<semaphore_mem>>) src(%dma_wait3A_621 : memref<100000x16xf32, #tpu.memory_space<hbm>>) dst(%dma_wait3A_617 : memref<128x16xf32, #tpu.memory_space<vmem>>)
      %dma_wait3A_622 = arith.constant 128 : i32
      %dma_wait3A_623 = arith.constant 0 : i32
      %dma_wait3A_624 = tpu.memref_slice %arg10[%dma_wait3A_622, %dma_wait3A_623] : memref<200x16xf32, #tpu.memory_space<vmem>> -> memref<72x16xf32, #tpu.memory_space<vmem>>
      %dma_wait3A_625 = tpu.memref_slice %arg9[%add3A_607] : memref<6400xi32, #tpu.memory_space<vmem>> -> memref<72xi32, #tpu.memory_space<vmem>>
      %dma_wait3A_626 = arith.constant 0 : i32
      %dma_wait3A_627 = arith.constant 0 : i32
      %dma_wait3A_628 = tpu.memref_slice %arg5[%dma_wait3A_626, %dma_wait3A_627] : memref<100000x16xf32, #tpu.memory_space<hbm>> -> memref<100000x16xf32, #tpu.memory_space<hbm>>
      tpu.wait_indirect_dma semaphore(%arg16 : memref<!tpu.dma_semaphore, #tpu.memory_space<semaphore_mem>>) src(%dma_wait3A_628 : memref<100000x16xf32, #tpu.memory_space<hbm>>) dst(%dma_wait3A_624 : memref<72x16xf32, #tpu.memory_space<vmem>>)
      %get3A_629 = arith.constant 0 : i32
      %get3A_630 = arith.index_cast %get3A_629 : i32 to index
      %get3A_631 = arith.constant 0 : index
      %get3A_632 = tpu.vector_load %arg10[%get3A_630, %get3A_631] {strides = array<i32>} : memref<200x16xf32, #tpu.memory_space<vmem>>, vector<1x16xf32>,
      %get3A_633 = vector.shape_cast %get3A_632 : vector<1x16xf32> to vector<16xf32>
      %get3A_634 = arith.constant 1 : i32
      %get3A_635 = arith.index_cast %get3A_634 : i32 to index
      %get3A_636 = arith.constant 0 : index
      %get3A_637 = tpu.vector_load %arg10[%get3A_635, %get3A_636] {strides = array<i32>} : memref<200x16xf32, #tpu.memory_space<vmem>>, vector<1x16xf32>,
      %get3A_638 = vector.shape_cast %get3A_637 : vector<1x16xf32> to vector<16xf32>
      %get3A_639 = arith.constant 2 : i32
      %get3A_640 = arith.index_cast %get3A_639 : i32 to index
      %get3A_641 = arith.constant 0 : index
      %get3A_642 = tpu.vector_load %arg10[%get3A_640, %get3A_641] {strides = array<i32>} : memref<200x16xf32, #tpu.memory_space<vmem>>, vector<1x16xf32>,
      %get3A_643 = vector.shape_cast %get3A_642 : vector<1x16xf32> to vector<16xf32>
      %get3A_644 = arith.constant 3 : i32
      %get3A_645 = arith.index_cast %get3A_644 : i32 to index
      %get3A_646 = arith.constant 0 : index
      %get3A_647 = tpu.vector_load %arg10[%get3A_645, %get3A_646] {strides = array<i32>} : memref<200x16xf32, #tpu.memory_space<vmem>>, vector<1x16xf32>,
      %get3A_648 = vector.shape_cast %get3A_647 : vector<1x16xf32> to vector<16xf32>
      %get3A_649 = arith.constant 4 : i32
      %get3A_650 = arith.index_cast %get3A_649 : i32 to index
      %get3A_651 = arith.constant 0 : index
      %get3A_652 = tpu.vector_load %arg10[%get3A_650, %get3A_651] {strides = array<i32>} : memref<200x16xf32, #tpu.memory_space<vmem>>, vector<1x16xf32>,
      %get3A_653 = vector.shape_cast %get3A_652 : vector<1x16xf32> to vector<16xf32>
      %add3A_654 = arith.addf %get3A_633, %get3A_653 : vector<16xf32>
      %get3A_655 = arith.constant 5 : i32
      %get3A_656 = arith.index_cast %get3A_655 : i32 to index
      %get3A_657 = arith.constant 0 : index
      %get3A_658 = tpu.vector_load %arg10[%get3A_656, %get3A_657] {strides = array<i32>} : memref<200x16xf32, #tpu.memory_space<vmem>>, vector<1x16xf32>,
      %get3A_659 = vector.shape_cast %get3A_658 : vector<1x16xf32> to vector<16xf32>
      %add3A_660 = arith.addf %get3A_638, %get3A_659 : vector<16xf32>
      %get3A_661 = arith.constant 6 : i32
      %get3A_662 = arith.index_cast %get3A_661 : i32 to index
      %get3A_663 = arith.constant 0 : index
      %get3A_664 = tpu.vector_load %arg10[%get3A_662, %get3A_663] {strides = array<i32>} : memref<200x16xf32, #tpu.memory_space<vmem>>, vector<1x16xf32>,
      %get3A_665 = vector.shape_cast %get3A_664 : vector<1x16xf32> to vector<16xf32>
      %add3A_666 = arith.addf %get3A_643, %get3A_665 : vector<16xf32>
      %get3A_667 = arith.constant 7 : i32
      %get3A_668 = arith.index_cast %get3A_667 : i32 to index
      %get3A_669 = arith.constant 0 : index
      %get3A_670 = tpu.vector_load %arg10[%get3A_668, %get3A_669] {strides = array<i32>} : memref<200x16xf32, #tpu.memory_space<vmem>>, vector<1x16xf32>,
      %get3A_671 = vector.shape_cast %get3A_670 : vector<1x16xf32> to vector<16xf32>
      %add3A_672 = arith.addf %get3A_648, %get3A_671 : vector<16xf32>
      %get3A_673 = arith.constant 8 : i32
      %get3A_674 = arith.index_cast %get3A_673 : i32 to index
      %get3A_675 = arith.constant 0 : index
      %get3A_676 = tpu.vector_load %arg10[%get3A_674, %get3A_675] {strides = array<i32>} : memref<200x16xf32, #tpu.memory_space<vmem>>, vector<1x16xf32>,
      %get3A_677 = vector.shape_cast %get3A_676 : vector<1x16xf32> to vector<16xf32>
      %add3A_678 = arith.addf %add3A_654, %get3A_677 : vector<16xf32>
      %get3A_679 = arith.constant 9 : i32
      %get3A_680 = arith.index_cast %get3A_679 : i32 to index
      %get3A_681 = arith.constant 0 : index
      %get3A_682 = tpu.vector_load %arg10[%get3A_680, %get3A_681] {strides = array<i32>} : memref<200x16xf32, #tpu.memory_space<vmem>>, vector<1x16xf32>,
      %get3A_683 = vector.shape_cast %get3A_682 : vector<1x16xf32> to vector<16xf32>
      %add3A_684 = arith.addf %add3A_660, %get3A_683 : vector<16xf32>
      %get3A_685 = arith.constant 10 : i32
      %get3A_686 = arith.index_cast %get3A_685 : i32 to index
      %get3A_687 = arith.constant 0 : index
      %get3A_688 = tpu.vector_load %arg10[%get3A_686, %get3A_687] {strides = array<i32>} : memref<200x16xf32, #tpu.memory_space<vmem>>, vector<1x16xf32>,
      %get3A_689 = vector.shape_cast %get3A_688 : vector<1x16xf32> to vector<16xf32>
      %add3A_690 = arith.addf %add3A_666, %get3A_689 : vector<16xf32>
      %get3A_691 = arith.constant 11 : i32
      %get3A_692 = arith.index_cast %get3A_691 : i32 to index
      %get3A_693 = arith.constant 0 : index
      %get3A_694 = tpu.vector_load %arg10[%get3A_692, %get3A_693] {strides = array<i32>} : memref<200x16xf32, #tpu.memory_space<vmem>>, vector<1x16xf32>,
      %get3A_695 = vector.shape_cast %get3A_694 : vector<1x16xf32> to vector<16xf32>
      %add3A_696 = arith.addf %add3A_672, %get3A_695 : vector<16xf32>
      %get3A_697 = arith.constant 12 : i32
      %get3A_698 = arith.index_cast %get3A_697 : i32 to index
      %get3A_699 = arith.constant 0 : index
      %get3A_700 = tpu.vector_load %arg10[%get3A_698, %get3A_699] {strides = array<i32>} : memref<200x16xf32, #tpu.memory_space<vmem>>, vector<1x16xf32>,
      %get3A_701 = vector.shape_cast %get3A_700 : vector<1x16xf32> to vector<16xf32>
      %add3A_702 = arith.addf %add3A_678, %get3A_701 : vector<16xf32>
      %get3A_703 = arith.constant 13 : i32
      %get3A_704 = arith.index_cast %get3A_703 : i32 to index
      %get3A_705 = arith.constant 0 : index
      %get3A_706 = tpu.vector_load %arg10[%get3A_704, %get3A_705] {strides = array<i32>} : memref<200x16xf32, #tpu.memory_space<vmem>>, vector<1x16xf32>,
      %get3A_707 = vector.shape_cast %get3A_706 : vector<1x16xf32> to vector<16xf32>
      %add3A_708 = arith.addf %add3A_684, %get3A_707 : vector<16xf32>
      %get3A_709 = arith.constant 14 : i32
      %get3A_710 = arith.index_cast %get3A_709 : i32 to index
      %get3A_711 = arith.constant 0 : index
      %get3A_712 = tpu.vector_load %arg10[%get3A_710, %get3A_711] {strides = array<i32>} : memref<200x16xf32, #tpu.memory_space<vmem>>, vector<1x16xf32>,
      %get3A_713 = vector.shape_cast %get3A_712 : vector<1x16xf32> to vector<16xf32>
      %add3A_714 = arith.addf %add3A_690, %get3A_713 : vector<16xf32>
      %get3A_715 = arith.constant 15 : i32
      %get3A_716 = arith.index_cast %get3A_715 : i32 to index
      %get3A_717 = arith.constant 0 : index
      %get3A_718 = tpu.vector_load %arg10[%get3A_716, %get3A_717] {strides = array<i32>} : memref<200x16xf32, #tpu.memory_space<vmem>>, vector<1x16xf32>,
      %get3A_719 = vector.shape_cast %get3A_718 : vector<1x16xf32> to vector<16xf32>
      %add3A_720 = arith.addf %add3A_696, %get3A_719 : vector<16xf32>
      %get3A_721 = arith.constant 16 : i32
      %get3A_722 = arith.index_cast %get3A_721 : i32 to index
      %get3A_723 = arith.constant 0 : index
      %get3A_724 = tpu.vector_load %arg10[%get3A_722, %get3A_723] {strides = array<i32>} : memref<200x16xf32, #tpu.memory_space<vmem>>, vector<1x16xf32>,
      %get3A_725 = vector.shape_cast %get3A_724 : vector<1x16xf32> to vector<16xf32>
      %add3A_726 = arith.addf %add3A_702, %get3A_725 : vector<16xf32>
      %get3A_727 = arith.constant 17 : i32
      %get3A_728 = arith.index_cast %get3A_727 : i32 to index
      %get3A_729 = arith.constant 0 : index
      %get3A_730 = tpu.vector_load %arg10[%get3A_728, %get3A_729] {strides = array<i32>} : memref<200x16xf32, #tpu.memory_space<vmem>>, vector<1x16xf32>,
      %get3A_731 = vector.shape_cast %get3A_730 : vector<1x16xf32> to vector<16xf32>
      %add3A_732 = arith.addf %add3A_708, %get3A_731 : vector<16xf32>
      %get3A_733 = arith.constant 18 : i32
      %get3A_734 = arith.index_cast %get3A_733 : i32 to index
      %get3A_735 = arith.constant 0 : index
      %get3A_736 = tpu.vector_load %arg10[%get3A_734, %get3A_735] {strides = array<i32>} : memref<200x16xf32, #tpu.memory_space<vmem>>, vector<1x16xf32>,
      %get3A_737 = vector.shape_cast %get3A_736 : vector<1x16xf32> to vector<16xf32>
      %add3A_738 = arith.addf %add3A_714, %get3A_737 : vector<16xf32>
      %get3A_739 = arith.constant 19 : i32
      %get3A_740 = arith.index_cast %get3A_739 : i32 to index
      %get3A_741 = arith.constant 0 : index
      %get3A_742 = tpu.vector_load %arg10[%get3A_740, %get3A_741] {strides = array<i32>} : memref<200x16xf32, #tpu.memory_space<vmem>>, vector<1x16xf32>,
      %get3A_743 = vector.shape_cast %get3A_742 : vector<1x16xf32> to vector<16xf32>
      %add3A_744 = arith.addf %add3A_720, %get3A_743 : vector<16xf32>
      %get3A_745 = arith.constant 20 : i32
      %get3A_746 = arith.index_cast %get3A_745 : i32 to index
      %get3A_747 = arith.constant 0 : index
      %get3A_748 = tpu.vector_load %arg10[%get3A_746, %get3A_747] {strides = array<i32>} : memref<200x16xf32, #tpu.memory_space<vmem>>, vector<1x16xf32>,
      %get3A_749 = vector.shape_cast %get3A_748 : vector<1x16xf32> to vector<16xf32>
      %add3A_750 = arith.addf %add3A_726, %get3A_749 : vector<16xf32>
      %get3A_751 = arith.constant 21 : i32
      %get3A_752 = arith.index_cast %get3A_751 : i32 to index
      %get3A_753 = arith.constant 0 : index
      %get3A_754 = tpu.vector_load %arg10[%get3A_752, %get3A_753] {strides = array<i32>} : memref<200x16xf32, #tpu.memory_space<vmem>>, vector<1x16xf32>,
      %get3A_755 = vector.shape_cast %get3A_754 : vector<1x16xf32> to vector<16xf32>
      %add3A_756 = arith.addf %add3A_732, %get3A_755 : vector<16xf32>
      %get3A_757 = arith.constant 22 : i32
      %get3A_758 = arith.index_cast %get3A_757 : i32 to index
      %get3A_759 = arith.constant 0 : index
      %get3A_760 = tpu.vector_load %arg10[%get3A_758, %get3A_759] {strides = array<i32>} : memref<200x16xf32, #tpu.memory_space<vmem>>, vector<1x16xf32>,
      %get3A_761 = vector.shape_cast %get3A_760 : vector<1x16xf32> to vector<16xf32>
      %add3A_762 = arith.addf %add3A_738, %get3A_761 : vector<16xf32>
      %get3A_763 = arith.constant 23 : i32
      %get3A_764 = arith.index_cast %get3A_763 : i32 to index
      %get3A_765 = arith.constant 0 : index
      %get3A_766 = tpu.vector_load %arg10[%get3A_764, %get3A_765] {strides = array<i32>} : memref<200x16xf32, #tpu.memory_space<vmem>>, vector<1x16xf32>,
      %get3A_767 = vector.shape_cast %get3A_766 : vector<1x16xf32> to vector<16xf32>
      %add3A_768 = arith.addf %add3A_744, %get3A_767 : vector<16xf32>
      %get3A_769 = arith.constant 24 : i32
      %get3A_770 = arith.index_cast %get3A_769 : i32 to index
      %get3A_771 = arith.constant 0 : index
      %get3A_772 = tpu.vector_load %arg10[%get3A_770, %get3A_771] {strides = array<i32>} : memref<200x16xf32, #tpu.memory_space<vmem>>, vector<1x16xf32>,
      %get3A_773 = vector.shape_cast %get3A_772 : vector<1x16xf32> to vector<16xf32>
      %add3A_774 = arith.addf %add3A_750, %get3A_773 : vector<16xf32>
      %get3A_775 = arith.constant 25 : i32
      %get3A_776 = arith.index_cast %get3A_775 : i32 to index
      %get3A_777 = arith.constant 0 : index
      %get3A_778 = tpu.vector_load %arg10[%get3A_776, %get3A_777] {strides = array<i32>} : memref<200x16xf32, #tpu.memory_space<vmem>>, vector<1x16xf32>,
      %get3A_779 = vector.shape_cast %get3A_778 : vector<1x16xf32> to vector<16xf32>
      %add3A_780 = arith.addf %add3A_756, %get3A_779 : vector<16xf32>
      %get3A_781 = arith.constant 26 : i32
      %get3A_782 = arith.index_cast %get3A_781 : i32 to index
      %get3A_783 = arith.constant 0 : index
      %get3A_784 = tpu.vector_load %arg10[%get3A_782, %get3A_783] {strides = array<i32>} : memref<200x16xf32, #tpu.memory_space<vmem>>, vector<1x16xf32>,
      %get3A_785 = vector.shape_cast %get3A_784 : vector<1x16xf32> to vector<16xf32>
      %add3A_786 = arith.addf %add3A_762, %get3A_785 : vector<16xf32>
      %get3A_787 = arith.constant 27 : i32
      %get3A_788 = arith.index_cast %get3A_787 : i32 to index
      %get3A_789 = arith.constant 0 : index
      %get3A_790 = tpu.vector_load %arg10[%get3A_788, %get3A_789] {strides = array<i32>} : memref<200x16xf32, #tpu.memory_space<vmem>>, vector<1x16xf32>,
      %get3A_791 = vector.shape_cast %get3A_790 : vector<1x16xf32> to vector<16xf32>
      %add3A_792 = arith.addf %add3A_768, %get3A_791 : vector<16xf32>
      %get3A_793 = arith.constant 28 : i32
      %get3A_794 = arith.index_cast %get3A_793 : i32 to index
      %get3A_795 = arith.constant 0 : index
      %get3A_796 = tpu.vector_load %arg10[%get3A_794, %get3A_795] {strides = array<i32>} : memref<200x16xf32, #tpu.memory_space<vmem>>, vector<1x16xf32>,
      %get3A_797 = vector.shape_cast %get3A_796 : vector<1x16xf32> to vector<16xf32>
      %add3A_798 = arith.addf %add3A_774, %get3A_797 : vector<16xf32>
      %get3A_799 = arith.constant 29 : i32
      %get3A_800 = arith.index_cast %get3A_799 : i32 to index
      %get3A_801 = arith.constant 0 : index
      %get3A_802 = tpu.vector_load %arg10[%get3A_800, %get3A_801] {strides = array<i32>} : memref<200x16xf32, #tpu.memory_space<vmem>>, vector<1x16xf32>,
      %get3A_803 = vector.shape_cast %get3A_802 : vector<1x16xf32> to vector<16xf32>
      %add3A_804 = arith.addf %add3A_780, %get3A_803 : vector<16xf32>
      %get3A_805 = arith.constant 30 : i32
      %get3A_806 = arith.index_cast %get3A_805 : i32 to index
      %get3A_807 = arith.constant 0 : index
      %get3A_808 = tpu.vector_load %arg10[%get3A_806, %get3A_807] {strides = array<i32>} : memref<200x16xf32, #tpu.memory_space<vmem>>, vector<1x16xf32>,
      %get3A_809 = vector.shape_cast %get3A_808 : vector<1x16xf32> to vector<16xf32>
      %add3A_810 = arith.addf %add3A_786, %get3A_809 : vector<16xf32>
      %get3A_811 = arith.constant 31 : i32
      %get3A_812 = arith.index_cast %get3A_811 : i32 to index
      %get3A_813 = arith.constant 0 : index
      %get3A_814 = tpu.vector_load %arg10[%get3A_812, %get3A_813] {strides = array<i32>} : memref<200x16xf32, #tpu.memory_space<vmem>>, vector<1x16xf32>,
      %get3A_815 = vector.shape_cast %get3A_814 : vector<1x16xf32> to vector<16xf32>
      %add3A_816 = arith.addf %add3A_792, %get3A_815 : vector<16xf32>
      %get3A_817 = arith.constant 32 : i32
      %get3A_818 = arith.index_cast %get3A_817 : i32 to index
      %get3A_819 = arith.constant 0 : index
      %get3A_820 = tpu.vector_load %arg10[%get3A_818, %get3A_819] {strides = array<i32>} : memref<200x16xf32, #tpu.memory_space<vmem>>, vector<1x16xf32>,
      %get3A_821 = vector.shape_cast %get3A_820 : vector<1x16xf32> to vector<16xf32>
      %add3A_822 = arith.addf %add3A_798, %get3A_821 : vector<16xf32>
      %get3A_823 = arith.constant 33 : i32
      %get3A_824 = arith.index_cast %get3A_823 : i32 to index
      %get3A_825 = arith.constant 0 : index
      %get3A_826 = tpu.vector_load %arg10[%get3A_824, %get3A_825] {strides = array<i32>} : memref<200x16xf32, #tpu.memory_space<vmem>>, vector<1x16xf32>,
      %get3A_827 = vector.shape_cast %get3A_826 : vector<1x16xf32> to vector<16xf32>
      %add3A_828 = arith.addf %add3A_804, %get3A_827 : vector<16xf32>
      %get3A_829 = arith.constant 34 : i32
      %get3A_830 = arith.index_cast %get3A_829 : i32 to index
      %get3A_831 = arith.constant 0 : index
      %get3A_832 = tpu.vector_load %arg10[%get3A_830, %get3A_831] {strides = array<i32>} : memref<200x16xf32, #tpu.memory_space<vmem>>, vector<1x16xf32>,
      %get3A_833 = vector.shape_cast %get3A_832 : vector<1x16xf32> to vector<16xf32>
      %add3A_834 = arith.addf %add3A_810, %get3A_833 : vector<16xf32>
      %get3A_835 = arith.constant 35 : i32
      %get3A_836 = arith.index_cast %get3A_835 : i32 to index
      %get3A_837 = arith.constant 0 : index
      %get3A_838 = tpu.vector_load %arg10[%get3A_836, %get3A_837] {strides = array<i32>} : memref<200x16xf32, #tpu.memory_space<vmem>>, vector<1x16xf32>,
      %get3A_839 = vector.shape_cast %get3A_838 : vector<1x16xf32> to vector<16xf32>
      %add3A_840 = arith.addf %add3A_816, %get3A_839 : vector<16xf32>
      %get3A_841 = arith.constant 36 : i32
      %get3A_842 = arith.index_cast %get3A_841 : i32 to index
      %get3A_843 = arith.constant 0 : index
      %get3A_844 = tpu.vector_load %arg10[%get3A_842, %get3A_843] {strides = array<i32>} : memref<200x16xf32, #tpu.memory_space<vmem>>, vector<1x16xf32>,
      %get3A_845 = vector.shape_cast %get3A_844 : vector<1x16xf32> to vector<16xf32>
      %add3A_846 = arith.addf %add3A_822, %get3A_845 : vector<16xf32>
      %get3A_847 = arith.constant 37 : i32
      %get3A_848 = arith.index_cast %get3A_847 : i32 to index
      %get3A_849 = arith.constant 0 : index
      %get3A_850 = tpu.vector_load %arg10[%get3A_848, %get3A_849] {strides = array<i32>} : memref<200x16xf32, #tpu.memory_space<vmem>>, vector<1x16xf32>,
      %get3A_851 = vector.shape_cast %get3A_850 : vector<1x16xf32> to vector<16xf32>
      %add3A_852 = arith.addf %add3A_828, %get3A_851 : vector<16xf32>
      %get3A_853 = arith.constant 38 : i32
      %get3A_854 = arith.index_cast %get3A_853 : i32 to index
      %get3A_855 = arith.constant 0 : index
      %get3A_856 = tpu.vector_load %arg10[%get3A_854, %get3A_855] {strides = array<i32>} : memref<200x16xf32, #tpu.memory_space<vmem>>, vector<1x16xf32>,
      %get3A_857 = vector.shape_cast %get3A_856 : vector<1x16xf32> to vector<16xf32>
      %add3A_858 = arith.addf %add3A_834, %get3A_857 : vector<16xf32>
      %get3A_859 = arith.constant 39 : i32
      %get3A_860 = arith.index_cast %get3A_859 : i32 to index
      %get3A_861 = arith.constant 0 : index
      %get3A_862 = tpu.vector_load %arg10[%get3A_860, %get3A_861] {strides = array<i32>} : memref<200x16xf32, #tpu.memory_space<vmem>>, vector<1x16xf32>,
      %get3A_863 = vector.shape_cast %get3A_862 : vector<1x16xf32> to vector<16xf32>
      %add3A_864 = arith.addf %add3A_840, %get3A_863 : vector<16xf32>
      %get3A_865 = arith.constant 40 : i32
      %get3A_866 = arith.index_cast %get3A_865 : i32 to index
      %get3A_867 = arith.constant 0 : index
      %get3A_868 = tpu.vector_load %arg10[%get3A_866, %get3A_867] {strides = array<i32>} : memref<200x16xf32, #tpu.memory_space<vmem>>, vector<1x16xf32>,
      %get3A_869 = vector.shape_cast %get3A_868 : vector<1x16xf32> to vector<16xf32>
      %add3A_870 = arith.addf %add3A_846, %get3A_869 : vector<16xf32>
      %get3A_871 = arith.constant 41 : i32
      %get3A_872 = arith.index_cast %get3A_871 : i32 to index
      %get3A_873 = arith.constant 0 : index
      %get3A_874 = tpu.vector_load %arg10[%get3A_872, %get3A_873] {strides = array<i32>} : memref<200x16xf32, #tpu.memory_space<vmem>>, vector<1x16xf32>,
      %get3A_875 = vector.shape_cast %get3A_874 : vector<1x16xf32> to vector<16xf32>
      %add3A_876 = arith.addf %add3A_852, %get3A_875 : vector<16xf32>
      %get3A_877 = arith.constant 42 : i32
      %get3A_878 = arith.index_cast %get3A_877 : i32 to index
      %get3A_879 = arith.constant 0 : index
      %get3A_880 = tpu.vector_load %arg10[%get3A_878, %get3A_879] {strides = array<i32>} : memref<200x16xf32, #tpu.memory_space<vmem>>, vector<1x16xf32>,
      %get3A_881 = vector.shape_cast %get3A_880 : vector<1x16xf32> to vector<16xf32>
      %add3A_882 = arith.addf %add3A_858, %get3A_881 : vector<16xf32>
      %get3A_883 = arith.constant 43 : i32
      %get3A_884 = arith.index_cast %get3A_883 : i32 to index
      %get3A_885 = arith.constant 0 : index
      %get3A_886 = tpu.vector_load %arg10[%get3A_884, %get3A_885] {strides = array<i32>} : memref<200x16xf32, #tpu.memory_space<vmem>>, vector<1x16xf32>,
      %get3A_887 = vector.shape_cast %get3A_886 : vector<1x16xf32> to vector<16xf32>
      %add3A_888 = arith.addf %add3A_864, %get3A_887 : vector<16xf32>
      %get3A_889 = arith.constant 44 : i32
      %get3A_890 = arith.index_cast %get3A_889 : i32 to index
      %get3A_891 = arith.constant 0 : index
      %get3A_892 = tpu.vector_load %arg10[%get3A_890, %get3A_891] {strides = array<i32>} : memref<200x16xf32, #tpu.memory_space<vmem>>, vector<1x16xf32>,
      %get3A_893 = vector.shape_cast %get3A_892 : vector<1x16xf32> to vector<16xf32>
      %add3A_894 = arith.addf %add3A_870, %get3A_893 : vector<16xf32>
      %get3A_895 = arith.constant 45 : i32
      %get3A_896 = arith.index_cast %get3A_895 : i32 to index
      %get3A_897 = arith.constant 0 : index
      %get3A_898 = tpu.vector_load %arg10[%get3A_896, %get3A_897] {strides = array<i32>} : memref<200x16xf32, #tpu.memory_space<vmem>>, vector<1x16xf32>,
      %get3A_899 = vector.shape_cast %get3A_898 : vector<1x16xf32> to vector<16xf32>
      %add3A_900 = arith.addf %add3A_876, %get3A_899 : vector<16xf32>
      %get3A_901 = arith.constant 46 : i32
      %get3A_902 = arith.index_cast %get3A_901 : i32 to index
      %get3A_903 = arith.constant 0 : index
      %get3A_904 = tpu.vector_load %arg10[%get3A_902, %get3A_903] {strides = array<i32>} : memref<200x16xf32, #tpu.memory_space<vmem>>, vector<1x16xf32>,
      %get3A_905 = vector.shape_cast %get3A_904 : vector<1x16xf32> to vector<16xf32>
      %add3A_906 = arith.addf %add3A_882, %get3A_905 : vector<16xf32>
      %get3A_907 = arith.constant 47 : i32
      %get3A_908 = arith.index_cast %get3A_907 : i32 to index
      %get3A_909 = arith.constant 0 : index
      %get3A_910 = tpu.vector_load %arg10[%get3A_908, %get3A_909] {strides = array<i32>} : memref<200x16xf32, #tpu.memory_space<vmem>>, vector<1x16xf32>,
      %get3A_911 = vector.shape_cast %get3A_910 : vector<1x16xf32> to vector<16xf32>
      %add3A_912 = arith.addf %add3A_888, %get3A_911 : vector<16xf32>
      %get3A_913 = arith.constant 48 : i32
      %get3A_914 = arith.index_cast %get3A_913 : i32 to index
      %get3A_915 = arith.constant 0 : index
      %get3A_916 = tpu.vector_load %arg10[%get3A_914, %get3A_915] {strides = array<i32>} : memref<200x16xf32, #tpu.memory_space<vmem>>, vector<1x16xf32>,
      %get3A_917 = vector.shape_cast %get3A_916 : vector<1x16xf32> to vector<16xf32>
      %add3A_918 = arith.addf %add3A_894, %get3A_917 : vector<16xf32>
      %get3A_919 = arith.constant 49 : i32
      %get3A_920 = arith.index_cast %get3A_919 : i32 to index
      %get3A_921 = arith.constant 0 : index
      %get3A_922 = tpu.vector_load %arg10[%get3A_920, %get3A_921] {strides = array<i32>} : memref<200x16xf32, #tpu.memory_space<vmem>>, vector<1x16xf32>,
      %get3A_923 = vector.shape_cast %get3A_922 : vector<1x16xf32> to vector<16xf32>
      %add3A_924 = arith.addf %add3A_900, %get3A_923 : vector<16xf32>
      %get3A_925 = arith.constant 50 : i32
      %get3A_926 = arith.index_cast %get3A_925 : i32 to index
      %get3A_927 = arith.constant 0 : index
      %get3A_928 = tpu.vector_load %arg10[%get3A_926, %get3A_927] {strides = array<i32>} : memref<200x16xf32, #tpu.memory_space<vmem>>, vector<1x16xf32>,
      %get3A_929 = vector.shape_cast %get3A_928 : vector<1x16xf32> to vector<16xf32>
      %add3A_930 = arith.addf %add3A_906, %get3A_929 : vector<16xf32>
      %get3A_931 = arith.constant 51 : i32
      %get3A_932 = arith.index_cast %get3A_931 : i32 to index
      %get3A_933 = arith.constant 0 : index
      %get3A_934 = tpu.vector_load %arg10[%get3A_932, %get3A_933] {strides = array<i32>} : memref<200x16xf32, #tpu.memory_space<vmem>>, vector<1x16xf32>,
      %get3A_935 = vector.shape_cast %get3A_934 : vector<1x16xf32> to vector<16xf32>
      %add3A_936 = arith.addf %add3A_912, %get3A_935 : vector<16xf32>
      %get3A_937 = arith.constant 52 : i32
      %get3A_938 = arith.index_cast %get3A_937 : i32 to index
      %get3A_939 = arith.constant 0 : index
      %get3A_940 = tpu.vector_load %arg10[%get3A_938, %get3A_939] {strides = array<i32>} : memref<200x16xf32, #tpu.memory_space<vmem>>, vector<1x16xf32>,
      %get3A_941 = vector.shape_cast %get3A_940 : vector<1x16xf32> to vector<16xf32>
      %add3A_942 = arith.addf %add3A_918, %get3A_941 : vector<16xf32>
      %get3A_943 = arith.constant 53 : i32
      %get3A_944 = arith.index_cast %get3A_943 : i32 to index
      %get3A_945 = arith.constant 0 : index
      %get3A_946 = tpu.vector_load %arg10[%get3A_944, %get3A_945] {strides = array<i32>} : memref<200x16xf32, #tpu.memory_space<vmem>>, vector<1x16xf32>,
      %get3A_947 = vector.shape_cast %get3A_946 : vector<1x16xf32> to vector<16xf32>
      %add3A_948 = arith.addf %add3A_924, %get3A_947 : vector<16xf32>
      %get3A_949 = arith.constant 54 : i32
      %get3A_950 = arith.index_cast %get3A_949 : i32 to index
      %get3A_951 = arith.constant 0 : index
      %get3A_952 = tpu.vector_load %arg10[%get3A_950, %get3A_951] {strides = array<i32>} : memref<200x16xf32, #tpu.memory_space<vmem>>, vector<1x16xf32>,
      %get3A_953 = vector.shape_cast %get3A_952 : vector<1x16xf32> to vector<16xf32>
      %add3A_954 = arith.addf %add3A_930, %get3A_953 : vector<16xf32>
      %get3A_955 = arith.constant 55 : i32
      %get3A_956 = arith.index_cast %get3A_955 : i32 to index
      %get3A_957 = arith.constant 0 : index
      %get3A_958 = tpu.vector_load %arg10[%get3A_956, %get3A_957] {strides = array<i32>} : memref<200x16xf32, #tpu.memory_space<vmem>>, vector<1x16xf32>,
      %get3A_959 = vector.shape_cast %get3A_958 : vector<1x16xf32> to vector<16xf32>
      %add3A_960 = arith.addf %add3A_936, %get3A_959 : vector<16xf32>
      %get3A_961 = arith.constant 56 : i32
      %get3A_962 = arith.index_cast %get3A_961 : i32 to index
      %get3A_963 = arith.constant 0 : index
      %get3A_964 = tpu.vector_load %arg10[%get3A_962, %get3A_963] {strides = array<i32>} : memref<200x16xf32, #tpu.memory_space<vmem>>, vector<1x16xf32>,
      %get3A_965 = vector.shape_cast %get3A_964 : vector<1x16xf32> to vector<16xf32>
      %add3A_966 = arith.addf %add3A_942, %get3A_965 : vector<16xf32>
      %get3A_967 = arith.constant 57 : i32
      %get3A_968 = arith.index_cast %get3A_967 : i32 to index
      %get3A_969 = arith.constant 0 : index
      %get3A_970 = tpu.vector_load %arg10[%get3A_968, %get3A_969] {strides = array<i32>} : memref<200x16xf32, #tpu.memory_space<vmem>>, vector<1x16xf32>,
      %get3A_971 = vector.shape_cast %get3A_970 : vector<1x16xf32> to vector<16xf32>
      %add3A_972 = arith.addf %add3A_948, %get3A_971 : vector<16xf32>
      %get3A_973 = arith.constant 58 : i32
      %get3A_974 = arith.index_cast %get3A_973 : i32 to index
      %get3A_975 = arith.constant 0 : index
      %get3A_976 = tpu.vector_load %arg10[%get3A_974, %get3A_975] {strides = array<i32>} : memref<200x16xf32, #tpu.memory_space<vmem>>, vector<1x16xf32>,
      %get3A_977 = vector.shape_cast %get3A_976 : vector<1x16xf32> to vector<16xf32>
      %add3A_978 = arith.addf %add3A_954, %get3A_977 : vector<16xf32>
      %get3A_979 = arith.constant 59 : i32
      %get3A_980 = arith.index_cast %get3A_979 : i32 to index
      %get3A_981 = arith.constant 0 : index
      %get3A_982 = tpu.vector_load %arg10[%get3A_980, %get3A_981] {strides = array<i32>} : memref<200x16xf32, #tpu.memory_space<vmem>>, vector<1x16xf32>,
      %get3A_983 = vector.shape_cast %get3A_982 : vector<1x16xf32> to vector<16xf32>
      %add3A_984 = arith.addf %add3A_960, %get3A_983 : vector<16xf32>
      %get3A_985 = arith.constant 60 : i32
      %get3A_986 = arith.index_cast %get3A_985 : i32 to index
      %get3A_987 = arith.constant 0 : index
      %get3A_988 = tpu.vector_load %arg10[%get3A_986, %get3A_987] {strides = array<i32>} : memref<200x16xf32, #tpu.memory_space<vmem>>, vector<1x16xf32>,
      %get3A_989 = vector.shape_cast %get3A_988 : vector<1x16xf32> to vector<16xf32>
      %add3A_990 = arith.addf %add3A_966, %get3A_989 : vector<16xf32>
      %get3A_991 = arith.constant 61 : i32
      %get3A_992 = arith.index_cast %get3A_991 : i32 to index
      %get3A_993 = arith.constant 0 : index
      %get3A_994 = tpu.vector_load %arg10[%get3A_992, %get3A_993] {strides = array<i32>} : memref<200x16xf32, #tpu.memory_space<vmem>>, vector<1x16xf32>,
      %get3A_995 = vector.shape_cast %get3A_994 : vector<1x16xf32> to vector<16xf32>
      %add3A_996 = arith.addf %add3A_972, %get3A_995 : vector<16xf32>
      %get3A_997 = arith.constant 62 : i32
      %get3A_998 = arith.index_cast %get3A_997 : i32 to index
      %get3A_999 = arith.constant 0 : index
      %get3A_1000 = tpu.vector_load %arg10[%get3A_998, %get3A_999] {strides = array<i32>} : memref<200x16xf32, #tpu.memory_space<vmem>>, vector<1x16xf32>,
      %get3A_1001 = vector.shape_cast %get3A_1000 : vector<1x16xf32> to vector<16xf32>
      %add3A_1002 = arith.addf %add3A_978, %get3A_1001 : vector<16xf32>
      %get3A_1003 = arith.constant 63 : i32
      %get3A_1004 = arith.index_cast %get3A_1003 : i32 to index
      %get3A_1005 = arith.constant 0 : index
      %get3A_1006 = tpu.vector_load %arg10[%get3A_1004, %get3A_1005] {strides = array<i32>} : memref<200x16xf32, #tpu.memory_space<vmem>>, vector<1x16xf32>,
      %get3A_1007 = vector.shape_cast %get3A_1006 : vector<1x16xf32> to vector<16xf32>
      %add3A_1008 = arith.addf %add3A_984, %get3A_1007 : vector<16xf32>
      %get3A_1009 = arith.constant 64 : i32
      %get3A_1010 = arith.index_cast %get3A_1009 : i32 to index
      %get3A_1011 = arith.constant 0 : index
      %get3A_1012 = tpu.vector_load %arg10[%get3A_1010, %get3A_1011] {strides = array<i32>} : memref<200x16xf32, #tpu.memory_space<vmem>>, vector<1x16xf32>,
      %get3A_1013 = vector.shape_cast %get3A_1012 : vector<1x16xf32> to vector<16xf32>
      %add3A_1014 = arith.addf %add3A_990, %get3A_1013 : vector<16xf32>
      %get3A_1015 = arith.constant 65 : i32
      %get3A_1016 = arith.index_cast %get3A_1015 : i32 to index
      %get3A_1017 = arith.constant 0 : index
      %get3A_1018 = tpu.vector_load %arg10[%get3A_1016, %get3A_1017] {strides = array<i32>} : memref<200x16xf32, #tpu.memory_space<vmem>>, vector<1x16xf32>,
      %get3A_1019 = vector.shape_cast %get3A_1018 : vector<1x16xf32> to vector<16xf32>
      %add3A_1020 = arith.addf %add3A_996, %get3A_1019 : vector<16xf32>
      %get3A_1021 = arith.constant 66 : i32
      %get3A_1022 = arith.index_cast %get3A_1021 : i32 to index
      %get3A_1023 = arith.constant 0 : index
      %get3A_1024 = tpu.vector_load %arg10[%get3A_1022, %get3A_1023] {strides = array<i32>} : memref<200x16xf32, #tpu.memory_space<vmem>>, vector<1x16xf32>,
      %get3A_1025 = vector.shape_cast %get3A_1024 : vector<1x16xf32> to vector<16xf32>
      %add3A_1026 = arith.addf %add3A_1002, %get3A_1025 : vector<16xf32>
      %get3A_1027 = arith.constant 67 : i32
      %get3A_1028 = arith.index_cast %get3A_1027 : i32 to index
      %get3A_1029 = arith.constant 0 : index
      %get3A_1030 = tpu.vector_load %arg10[%get3A_1028, %get3A_1029] {strides = array<i32>} : memref<200x16xf32, #tpu.memory_space<vmem>>, vector<1x16xf32>,
      %get3A_1031 = vector.shape_cast %get3A_1030 : vector<1x16xf32> to vector<16xf32>
      %add3A_1032 = arith.addf %add3A_1008, %get3A_1031 : vector<16xf32>
      %get3A_1033 = arith.constant 68 : i32
      %get3A_1034 = arith.index_cast %get3A_1033 : i32 to index
      %get3A_1035 = arith.constant 0 : index
      %get3A_1036 = tpu.vector_load %arg10[%get3A_1034, %get3A_1035] {strides = array<i32>} : memref<200x16xf32, #tpu.memory_space<vmem>>, vector<1x16xf32>,
      %get3A_1037 = vector.shape_cast %get3A_1036 : vector<1x16xf32> to vector<16xf32>
      %add3A_1038 = arith.addf %add3A_1014, %get3A_1037 : vector<16xf32>
      %get3A_1039 = arith.constant 69 : i32
      %get3A_1040 = arith.index_cast %get3A_1039 : i32 to index
      %get3A_1041 = arith.constant 0 : index
      %get3A_1042 = tpu.vector_load %arg10[%get3A_1040, %get3A_1041] {strides = array<i32>} : memref<200x16xf32, #tpu.memory_space<vmem>>, vector<1x16xf32>,
      %get3A_1043 = vector.shape_cast %get3A_1042 : vector<1x16xf32> to vector<16xf32>
      %add3A_1044 = arith.addf %add3A_1020, %get3A_1043 : vector<16xf32>
      %get3A_1045 = arith.constant 70 : i32
      %get3A_1046 = arith.index_cast %get3A_1045 : i32 to index
      %get3A_1047 = arith.constant 0 : index
      %get3A_1048 = tpu.vector_load %arg10[%get3A_1046, %get3A_1047] {strides = array<i32>} : memref<200x16xf32, #tpu.memory_space<vmem>>, vector<1x16xf32>,
      %get3A_1049 = vector.shape_cast %get3A_1048 : vector<1x16xf32> to vector<16xf32>
      %add3A_1050 = arith.addf %add3A_1026, %get3A_1049 : vector<16xf32>
      %get3A_1051 = arith.constant 71 : i32
      %get3A_1052 = arith.index_cast %get3A_1051 : i32 to index
      %get3A_1053 = arith.constant 0 : index
      %get3A_1054 = tpu.vector_load %arg10[%get3A_1052, %get3A_1053] {strides = array<i32>} : memref<200x16xf32, #tpu.memory_space<vmem>>, vector<1x16xf32>,
      %get3A_1055 = vector.shape_cast %get3A_1054 : vector<1x16xf32> to vector<16xf32>
      %add3A_1056 = arith.addf %add3A_1032, %get3A_1055 : vector<16xf32>
      %get3A_1057 = arith.constant 72 : i32
      %get3A_1058 = arith.index_cast %get3A_1057 : i32 to index
      %get3A_1059 = arith.constant 0 : index
      %get3A_1060 = tpu.vector_load %arg10[%get3A_1058, %get3A_1059] {strides = array<i32>} : memref<200x16xf32, #tpu.memory_space<vmem>>, vector<1x16xf32>,
      %get3A_1061 = vector.shape_cast %get3A_1060 : vector<1x16xf32> to vector<16xf32>
      %add3A_1062 = arith.addf %add3A_1038, %get3A_1061 : vector<16xf32>
      %get3A_1063 = arith.constant 73 : i32
      %get3A_1064 = arith.index_cast %get3A_1063 : i32 to index
      %get3A_1065 = arith.constant 0 : index
      %get3A_1066 = tpu.vector_load %arg10[%get3A_1064, %get3A_1065] {strides = array<i32>} : memref<200x16xf32, #tpu.memory_space<vmem>>, vector<1x16xf32>,
      %get3A_1067 = vector.shape_cast %get3A_1066 : vector<1x16xf32> to vector<16xf32>
      %add3A_1068 = arith.addf %add3A_1044, %get3A_1067 : vector<16xf32>
      %get3A_1069 = arith.constant 74 : i32
      %get3A_1070 = arith.index_cast %get3A_1069 : i32 to index
      %get3A_1071 = arith.constant 0 : index
      %get3A_1072 = tpu.vector_load %arg10[%get3A_1070, %get3A_1071] {strides = array<i32>} : memref<200x16xf32, #tpu.memory_space<vmem>>, vector<1x16xf32>,
      %get3A_1073 = vector.shape_cast %get3A_1072 : vector<1x16xf32> to vector<16xf32>
      %add3A_1074 = arith.addf %add3A_1050, %get3A_1073 : vector<16xf32>
      %get3A_1075 = arith.constant 75 : i32
      %get3A_1076 = arith.index_cast %get3A_1075 : i32 to index
      %get3A_1077 = arith.constant 0 : index
      %get3A_1078 = tpu.vector_load %arg10[%get3A_1076, %get3A_1077] {strides = array<i32>} : memref<200x16xf32, #tpu.memory_space<vmem>>, vector<1x16xf32>,
      %get3A_1079 = vector.shape_cast %get3A_1078 : vector<1x16xf32> to vector<16xf32>
      %add3A_1080 = arith.addf %add3A_1056, %get3A_1079 : vector<16xf32>
      %get3A_1081 = arith.constant 76 : i32
      %get3A_1082 = arith.index_cast %get3A_1081 : i32 to index
      %get3A_1083 = arith.constant 0 : index
      %get3A_1084 = tpu.vector_load %arg10[%get3A_1082, %get3A_1083] {strides = array<i32>} : memref<200x16xf32, #tpu.memory_space<vmem>>, vector<1x16xf32>,
      %get3A_1085 = vector.shape_cast %get3A_1084 : vector<1x16xf32> to vector<16xf32>
      %add3A_1086 = arith.addf %add3A_1062, %get3A_1085 : vector<16xf32>
      %get3A_1087 = arith.constant 77 : i32
      %get3A_1088 = arith.index_cast %get3A_1087 : i32 to index
      %get3A_1089 = arith.constant 0 : index
      %get3A_1090 = tpu.vector_load %arg10[%get3A_1088, %get3A_1089] {strides = array<i32>} : memref<200x16xf32, #tpu.memory_space<vmem>>, vector<1x16xf32>,
      %get3A_1091 = vector.shape_cast %get3A_1090 : vector<1x16xf32> to vector<16xf32>
      %add3A_1092 = arith.addf %add3A_1068, %get3A_1091 : vector<16xf32>
      %get3A_1093 = arith.constant 78 : i32
      %get3A_1094 = arith.index_cast %get3A_1093 : i32 to index
      %get3A_1095 = arith.constant 0 : index
      %get3A_1096 = tpu.vector_load %arg10[%get3A_1094, %get3A_1095] {strides = array<i32>} : memref<200x16xf32, #tpu.memory_space<vmem>>, vector<1x16xf32>,
      %get3A_1097 = vector.shape_cast %get3A_1096 : vector<1x16xf32> to vector<16xf32>
      %add3A_1098 = arith.addf %add3A_1074, %get3A_1097 : vector<16xf32>
      %get3A_1099 = arith.constant 79 : i32
      %get3A_1100 = arith.index_cast %get3A_1099 : i32 to index
      %get3A_1101 = arith.constant 0 : index
      %get3A_1102 = tpu.vector_load %arg10[%get3A_1100, %get3A_1101] {strides = array<i32>} : memref<200x16xf32, #tpu.memory_space<vmem>>, vector<1x16xf32>,
      %get3A_1103 = vector.shape_cast %get3A_1102 : vector<1x16xf32> to vector<16xf32>
      %add3A_1104 = arith.addf %add3A_1080, %get3A_1103 : vector<16xf32>
      %get3A_1105 = arith.constant 80 : i32
      %get3A_1106 = arith.index_cast %get3A_1105 : i32 to index
      %get3A_1107 = arith.constant 0 : index
      %get3A_1108 = tpu.vector_load %arg10[%get3A_1106, %get3A_1107] {strides = array<i32>} : memref<200x16xf32, #tpu.memory_space<vmem>>, vector<1x16xf32>,
      %get3A_1109 = vector.shape_cast %get3A_1108 : vector<1x16xf32> to vector<16xf32>
      %add3A_1110 = arith.addf %add3A_1086, %get3A_1109 : vector<16xf32>
      %get3A_1111 = arith.constant 81 : i32
      %get3A_1112 = arith.index_cast %get3A_1111 : i32 to index
      %get3A_1113 = arith.constant 0 : index
      %get3A_1114 = tpu.vector_load %arg10[%get3A_1112, %get3A_1113] {strides = array<i32>} : memref<200x16xf32, #tpu.memory_space<vmem>>, vector<1x16xf32>,
      %get3A_1115 = vector.shape_cast %get3A_1114 : vector<1x16xf32> to vector<16xf32>
      %add3A_1116 = arith.addf %add3A_1092, %get3A_1115 : vector<16xf32>
      %get3A_1117 = arith.constant 82 : i32
      %get3A_1118 = arith.index_cast %get3A_1117 : i32 to index
      %get3A_1119 = arith.constant 0 : index
      %get3A_1120 = tpu.vector_load %arg10[%get3A_1118, %get3A_1119] {strides = array<i32>} : memref<200x16xf32, #tpu.memory_space<vmem>>, vector<1x16xf32>,
      %get3A_1121 = vector.shape_cast %get3A_1120 : vector<1x16xf32> to vector<16xf32>
      %add3A_1122 = arith.addf %add3A_1098, %get3A_1121 : vector<16xf32>
      %get3A_1123 = arith.constant 83 : i32
      %get3A_1124 = arith.index_cast %get3A_1123 : i32 to index
      %get3A_1125 = arith.constant 0 : index
      %get3A_1126 = tpu.vector_load %arg10[%get3A_1124, %get3A_1125] {strides = array<i32>} : memref<200x16xf32, #tpu.memory_space<vmem>>, vector<1x16xf32>,
      %get3A_1127 = vector.shape_cast %get3A_1126 : vector<1x16xf32> to vector<16xf32>
      %add3A_1128 = arith.addf %add3A_1104, %get3A_1127 : vector<16xf32>
      %get3A_1129 = arith.constant 84 : i32
      %get3A_1130 = arith.index_cast %get3A_1129 : i32 to index
      %get3A_1131 = arith.constant 0 : index
      %get3A_1132 = tpu.vector_load %arg10[%get3A_1130, %get3A_1131] {strides = array<i32>} : memref<200x16xf32, #tpu.memory_space<vmem>>, vector<1x16xf32>,
      %get3A_1133 = vector.shape_cast %get3A_1132 : vector<1x16xf32> to vector<16xf32>
      %add3A_1134 = arith.addf %add3A_1110, %get3A_1133 : vector<16xf32>
      %get3A_1135 = arith.constant 85 : i32
      %get3A_1136 = arith.index_cast %get3A_1135 : i32 to index
      %get3A_1137 = arith.constant 0 : index
      %get3A_1138 = tpu.vector_load %arg10[%get3A_1136, %get3A_1137] {strides = array<i32>} : memref<200x16xf32, #tpu.memory_space<vmem>>, vector<1x16xf32>,
      %get3A_1139 = vector.shape_cast %get3A_1138 : vector<1x16xf32> to vector<16xf32>
      %add3A_1140 = arith.addf %add3A_1116, %get3A_1139 : vector<16xf32>
      %get3A_1141 = arith.constant 86 : i32
      %get3A_1142 = arith.index_cast %get3A_1141 : i32 to index
      %get3A_1143 = arith.constant 0 : index
      %get3A_1144 = tpu.vector_load %arg10[%get3A_1142, %get3A_1143] {strides = array<i32>} : memref<200x16xf32, #tpu.memory_space<vmem>>, vector<1x16xf32>,
      %get3A_1145 = vector.shape_cast %get3A_1144 : vector<1x16xf32> to vector<16xf32>
      %add3A_1146 = arith.addf %add3A_1122, %get3A_1145 : vector<16xf32>
      %get3A_1147 = arith.constant 87 : i32
      %get3A_1148 = arith.index_cast %get3A_1147 : i32 to index
      %get3A_1149 = arith.constant 0 : index
      %get3A_1150 = tpu.vector_load %arg10[%get3A_1148, %get3A_1149] {strides = array<i32>} : memref<200x16xf32, #tpu.memory_space<vmem>>, vector<1x16xf32>,
      %get3A_1151 = vector.shape_cast %get3A_1150 : vector<1x16xf32> to vector<16xf32>
      %add3A_1152 = arith.addf %add3A_1128, %get3A_1151 : vector<16xf32>
      %get3A_1153 = arith.constant 88 : i32
      %get3A_1154 = arith.index_cast %get3A_1153 : i32 to index
      %get3A_1155 = arith.constant 0 : index
      %get3A_1156 = tpu.vector_load %arg10[%get3A_1154, %get3A_1155] {strides = array<i32>} : memref<200x16xf32, #tpu.memory_space<vmem>>, vector<1x16xf32>,
      %get3A_1157 = vector.shape_cast %get3A_1156 : vector<1x16xf32> to vector<16xf32>
      %add3A_1158 = arith.addf %add3A_1134, %get3A_1157 : vector<16xf32>
      %get3A_1159 = arith.constant 89 : i32
      %get3A_1160 = arith.index_cast %get3A_1159 : i32 to index
      %get3A_1161 = arith.constant 0 : index
      %get3A_1162 = tpu.vector_load %arg10[%get3A_1160, %get3A_1161] {strides = array<i32>} : memref<200x16xf32, #tpu.memory_space<vmem>>, vector<1x16xf32>,
      %get3A_1163 = vector.shape_cast %get3A_1162 : vector<1x16xf32> to vector<16xf32>
      %add3A_1164 = arith.addf %add3A_1140, %get3A_1163 : vector<16xf32>
      %get3A_1165 = arith.constant 90 : i32
      %get3A_1166 = arith.index_cast %get3A_1165 : i32 to index
      %get3A_1167 = arith.constant 0 : index
      %get3A_1168 = tpu.vector_load %arg10[%get3A_1166, %get3A_1167] {strides = array<i32>} : memref<200x16xf32, #tpu.memory_space<vmem>>, vector<1x16xf32>,
      %get3A_1169 = vector.shape_cast %get3A_1168 : vector<1x16xf32> to vector<16xf32>
      %add3A_1170 = arith.addf %add3A_1146, %get3A_1169 : vector<16xf32>
      %get3A_1171 = arith.constant 91 : i32
      %get3A_1172 = arith.index_cast %get3A_1171 : i32 to index
      %get3A_1173 = arith.constant 0 : index
      %get3A_1174 = tpu.vector_load %arg10[%get3A_1172, %get3A_1173] {strides = array<i32>} : memref<200x16xf32, #tpu.memory_space<vmem>>, vector<1x16xf32>,
      %get3A_1175 = vector.shape_cast %get3A_1174 : vector<1x16xf32> to vector<16xf32>
      %add3A_1176 = arith.addf %add3A_1152, %get3A_1175 : vector<16xf32>
      %get3A_1177 = arith.constant 92 : i32
      %get3A_1178 = arith.index_cast %get3A_1177 : i32 to index
      %get3A_1179 = arith.constant 0 : index
      %get3A_1180 = tpu.vector_load %arg10[%get3A_1178, %get3A_1179] {strides = array<i32>} : memref<200x16xf32, #tpu.memory_space<vmem>>, vector<1x16xf32>,
      %get3A_1181 = vector.shape_cast %get3A_1180 : vector<1x16xf32> to vector<16xf32>
      %add3A_1182 = arith.addf %add3A_1158, %get3A_1181 : vector<16xf32>
      %get3A_1183 = arith.constant 93 : i32
      %get3A_1184 = arith.index_cast %get3A_1183 : i32 to index
      %get3A_1185 = arith.constant 0 : index
      %get3A_1186 = tpu.vector_load %arg10[%get3A_1184, %get3A_1185] {strides = array<i32>} : memref<200x16xf32, #tpu.memory_space<vmem>>, vector<1x16xf32>,
      %get3A_1187 = vector.shape_cast %get3A_1186 : vector<1x16xf32> to vector<16xf32>
      %add3A_1188 = arith.addf %add3A_1164, %get3A_1187 : vector<16xf32>
      %get3A_1189 = arith.constant 94 : i32
      %get3A_1190 = arith.index_cast %get3A_1189 : i32 to index
      %get3A_1191 = arith.constant 0 : index
      %get3A_1192 = tpu.vector_load %arg10[%get3A_1190, %get3A_1191] {strides = array<i32>} : memref<200x16xf32, #tpu.memory_space<vmem>>, vector<1x16xf32>,
      %get3A_1193 = vector.shape_cast %get3A_1192 : vector<1x16xf32> to vector<16xf32>
      %add3A_1194 = arith.addf %add3A_1170, %get3A_1193 : vector<16xf32>
      %get3A_1195 = arith.constant 95 : i32
      %get3A_1196 = arith.index_cast %get3A_1195 : i32 to index
      %get3A_1197 = arith.constant 0 : index
      %get3A_1198 = tpu.vector_load %arg10[%get3A_1196, %get3A_1197] {strides = array<i32>} : memref<200x16xf32, #tpu.memory_space<vmem>>, vector<1x16xf32>,
      %get3A_1199 = vector.shape_cast %get3A_1198 : vector<1x16xf32> to vector<16xf32>
      %add3A_1200 = arith.addf %add3A_1176, %get3A_1199 : vector<16xf32>
      %get3A_1201 = arith.constant 96 : i32
      %get3A_1202 = arith.index_cast %get3A_1201 : i32 to index
      %get3A_1203 = arith.constant 0 : index
      %get3A_1204 = tpu.vector_load %arg10[%get3A_1202, %get3A_1203] {strides = array<i32>} : memref<200x16xf32, #tpu.memory_space<vmem>>, vector<1x16xf32>,
      %get3A_1205 = vector.shape_cast %get3A_1204 : vector<1x16xf32> to vector<16xf32>
      %add3A_1206 = arith.addf %add3A_1182, %get3A_1205 : vector<16xf32>
      %get3A_1207 = arith.constant 97 : i32
      %get3A_1208 = arith.index_cast %get3A_1207 : i32 to index
      %get3A_1209 = arith.constant 0 : index
      %get3A_1210 = tpu.vector_load %arg10[%get3A_1208, %get3A_1209] {strides = array<i32>} : memref<200x16xf32, #tpu.memory_space<vmem>>, vector<1x16xf32>,
      %get3A_1211 = vector.shape_cast %get3A_1210 : vector<1x16xf32> to vector<16xf32>
      %add3A_1212 = arith.addf %add3A_1188, %get3A_1211 : vector<16xf32>
      %get3A_1213 = arith.constant 98 : i32
      %get3A_1214 = arith.index_cast %get3A_1213 : i32 to index
      %get3A_1215 = arith.constant 0 : index
      %get3A_1216 = tpu.vector_load %arg10[%get3A_1214, %get3A_1215] {strides = array<i32>} : memref<200x16xf32, #tpu.memory_space<vmem>>, vector<1x16xf32>,
      %get3A_1217 = vector.shape_cast %get3A_1216 : vector<1x16xf32> to vector<16xf32>
      %add3A_1218 = arith.addf %add3A_1194, %get3A_1217 : vector<16xf32>
      %get3A_1219 = arith.constant 99 : i32
      %get3A_1220 = arith.index_cast %get3A_1219 : i32 to index
      %get3A_1221 = arith.constant 0 : index
      %get3A_1222 = tpu.vector_load %arg10[%get3A_1220, %get3A_1221] {strides = array<i32>} : memref<200x16xf32, #tpu.memory_space<vmem>>, vector<1x16xf32>,
      %get3A_1223 = vector.shape_cast %get3A_1222 : vector<1x16xf32> to vector<16xf32>
      %add3A_1224 = arith.addf %add3A_1200, %get3A_1223 : vector<16xf32>
      %get3A_1225 = arith.constant 100 : i32
      %get3A_1226 = arith.index_cast %get3A_1225 : i32 to index
      %get3A_1227 = arith.constant 0 : index
      %get3A_1228 = tpu.vector_load %arg10[%get3A_1226, %get3A_1227] {strides = array<i32>} : memref<200x16xf32, #tpu.memory_space<vmem>>, vector<1x16xf32>,
      %get3A_1229 = vector.shape_cast %get3A_1228 : vector<1x16xf32> to vector<16xf32>
      %add3A_1230 = arith.addf %add3A_1206, %get3A_1229 : vector<16xf32>
      %get3A_1231 = arith.constant 101 : i32
      %get3A_1232 = arith.index_cast %get3A_1231 : i32 to index
      %get3A_1233 = arith.constant 0 : index
      %get3A_1234 = tpu.vector_load %arg10[%get3A_1232, %get3A_1233] {strides = array<i32>} : memref<200x16xf32, #tpu.memory_space<vmem>>, vector<1x16xf32>,
      %get3A_1235 = vector.shape_cast %get3A_1234 : vector<1x16xf32> to vector<16xf32>
      %add3A_1236 = arith.addf %add3A_1212, %get3A_1235 : vector<16xf32>
      %get3A_1237 = arith.constant 102 : i32
      %get3A_1238 = arith.index_cast %get3A_1237 : i32 to index
      %get3A_1239 = arith.constant 0 : index
      %get3A_1240 = tpu.vector_load %arg10[%get3A_1238, %get3A_1239] {strides = array<i32>} : memref<200x16xf32, #tpu.memory_space<vmem>>, vector<1x16xf32>,
      %get3A_1241 = vector.shape_cast %get3A_1240 : vector<1x16xf32> to vector<16xf32>
      %add3A_1242 = arith.addf %add3A_1218, %get3A_1241 : vector<16xf32>
      %get3A_1243 = arith.constant 103 : i32
      %get3A_1244 = arith.index_cast %get3A_1243 : i32 to index
      %get3A_1245 = arith.constant 0 : index
      %get3A_1246 = tpu.vector_load %arg10[%get3A_1244, %get3A_1245] {strides = array<i32>} : memref<200x16xf32, #tpu.memory_space<vmem>>, vector<1x16xf32>,
      %get3A_1247 = vector.shape_cast %get3A_1246 : vector<1x16xf32> to vector<16xf32>
      %add3A_1248 = arith.addf %add3A_1224, %get3A_1247 : vector<16xf32>
      %get3A_1249 = arith.constant 104 : i32
      %get3A_1250 = arith.index_cast %get3A_1249 : i32 to index
      %get3A_1251 = arith.constant 0 : index
      %get3A_1252 = tpu.vector_load %arg10[%get3A_1250, %get3A_1251] {strides = array<i32>} : memref<200x16xf32, #tpu.memory_space<vmem>>, vector<1x16xf32>,
      %get3A_1253 = vector.shape_cast %get3A_1252 : vector<1x16xf32> to vector<16xf32>
      %add3A_1254 = arith.addf %add3A_1230, %get3A_1253 : vector<16xf32>
      %get3A_1255 = arith.constant 105 : i32
      %get3A_1256 = arith.index_cast %get3A_1255 : i32 to index
      %get3A_1257 = arith.constant 0 : index
      %get3A_1258 = tpu.vector_load %arg10[%get3A_1256, %get3A_1257] {strides = array<i32>} : memref<200x16xf32, #tpu.memory_space<vmem>>, vector<1x16xf32>,
      %get3A_1259 = vector.shape_cast %get3A_1258 : vector<1x16xf32> to vector<16xf32>
      %add3A_1260 = arith.addf %add3A_1236, %get3A_1259 : vector<16xf32>
      %get3A_1261 = arith.constant 106 : i32
      %get3A_1262 = arith.index_cast %get3A_1261 : i32 to index
      %get3A_1263 = arith.constant 0 : index
      %get3A_1264 = tpu.vector_load %arg10[%get3A_1262, %get3A_1263] {strides = array<i32>} : memref<200x16xf32, #tpu.memory_space<vmem>>, vector<1x16xf32>,
      %get3A_1265 = vector.shape_cast %get3A_1264 : vector<1x16xf32> to vector<16xf32>
      %add3A_1266 = arith.addf %add3A_1242, %get3A_1265 : vector<16xf32>
      %get3A_1267 = arith.constant 107 : i32
      %get3A_1268 = arith.index_cast %get3A_1267 : i32 to index
      %get3A_1269 = arith.constant 0 : index
      %get3A_1270 = tpu.vector_load %arg10[%get3A_1268, %get3A_1269] {strides = array<i32>} : memref<200x16xf32, #tpu.memory_space<vmem>>, vector<1x16xf32>,
      %get3A_1271 = vector.shape_cast %get3A_1270 : vector<1x16xf32> to vector<16xf32>
      %add3A_1272 = arith.addf %add3A_1248, %get3A_1271 : vector<16xf32>
      %get3A_1273 = arith.constant 108 : i32
      %get3A_1274 = arith.index_cast %get3A_1273 : i32 to index
      %get3A_1275 = arith.constant 0 : index
      %get3A_1276 = tpu.vector_load %arg10[%get3A_1274, %get3A_1275] {strides = array<i32>} : memref<200x16xf32, #tpu.memory_space<vmem>>, vector<1x16xf32>,
      %get3A_1277 = vector.shape_cast %get3A_1276 : vector<1x16xf32> to vector<16xf32>
      %add3A_1278 = arith.addf %add3A_1254, %get3A_1277 : vector<16xf32>
      %get3A_1279 = arith.constant 109 : i32
      %get3A_1280 = arith.index_cast %get3A_1279 : i32 to index
      %get3A_1281 = arith.constant 0 : index
      %get3A_1282 = tpu.vector_load %arg10[%get3A_1280, %get3A_1281] {strides = array<i32>} : memref<200x16xf32, #tpu.memory_space<vmem>>, vector<1x16xf32>,
      %get3A_1283 = vector.shape_cast %get3A_1282 : vector<1x16xf32> to vector<16xf32>
      %add3A_1284 = arith.addf %add3A_1260, %get3A_1283 : vector<16xf32>
      %get3A_1285 = arith.constant 110 : i32
      %get3A_1286 = arith.index_cast %get3A_1285 : i32 to index
      %get3A_1287 = arith.constant 0 : index
      %get3A_1288 = tpu.vector_load %arg10[%get3A_1286, %get3A_1287] {strides = array<i32>} : memref<200x16xf32, #tpu.memory_space<vmem>>, vector<1x16xf32>,
      %get3A_1289 = vector.shape_cast %get3A_1288 : vector<1x16xf32> to vector<16xf32>
      %add3A_1290 = arith.addf %add3A_1266, %get3A_1289 : vector<16xf32>
      %get3A_1291 = arith.constant 111 : i32
      %get3A_1292 = arith.index_cast %get3A_1291 : i32 to index
      %get3A_1293 = arith.constant 0 : index
      %get3A_1294 = tpu.vector_load %arg10[%get3A_1292, %get3A_1293] {strides = array<i32>} : memref<200x16xf32, #tpu.memory_space<vmem>>, vector<1x16xf32>,
      %get3A_1295 = vector.shape_cast %get3A_1294 : vector<1x16xf32> to vector<16xf32>
      %add3A_1296 = arith.addf %add3A_1272, %get3A_1295 : vector<16xf32>
      %get3A_1297 = arith.constant 112 : i32
      %get3A_1298 = arith.index_cast %get3A_1297 : i32 to index
      %get3A_1299 = arith.constant 0 : index
      %get3A_1300 = tpu.vector_load %arg10[%get3A_1298, %get3A_1299] {strides = array<i32>} : memref<200x16xf32, #tpu.memory_space<vmem>>, vector<1x16xf32>,
      %get3A_1301 = vector.shape_cast %get3A_1300 : vector<1x16xf32> to vector<16xf32>
      %add3A_1302 = arith.addf %add3A_1278, %get3A_1301 : vector<16xf32>
      %get3A_1303 = arith.constant 113 : i32
      %get3A_1304 = arith.index_cast %get3A_1303 : i32 to index
      %get3A_1305 = arith.constant 0 : index
      %get3A_1306 = tpu.vector_load %arg10[%get3A_1304, %get3A_1305] {strides = array<i32>} : memref<200x16xf32, #tpu.memory_space<vmem>>, vector<1x16xf32>,
      %get3A_1307 = vector.shape_cast %get3A_1306 : vector<1x16xf32> to vector<16xf32>
      %add3A_1308 = arith.addf %add3A_1284, %get3A_1307 : vector<16xf32>
      %get3A_1309 = arith.constant 114 : i32
      %get3A_1310 = arith.index_cast %get3A_1309 : i32 to index
      %get3A_1311 = arith.constant 0 : index
      %get3A_1312 = tpu.vector_load %arg10[%get3A_1310, %get3A_1311] {strides = array<i32>} : memref<200x16xf32, #tpu.memory_space<vmem>>, vector<1x16xf32>,
      %get3A_1313 = vector.shape_cast %get3A_1312 : vector<1x16xf32> to vector<16xf32>
      %add3A_1314 = arith.addf %add3A_1290, %get3A_1313 : vector<16xf32>
      %get3A_1315 = arith.constant 115 : i32
      %get3A_1316 = arith.index_cast %get3A_1315 : i32 to index
      %get3A_1317 = arith.constant 0 : index
      %get3A_1318 = tpu.vector_load %arg10[%get3A_1316, %get3A_1317] {strides = array<i32>} : memref<200x16xf32, #tpu.memory_space<vmem>>, vector<1x16xf32>,
      %get3A_1319 = vector.shape_cast %get3A_1318 : vector<1x16xf32> to vector<16xf32>
      %add3A_1320 = arith.addf %add3A_1296, %get3A_1319 : vector<16xf32>
      %get3A_1321 = arith.constant 116 : i32
      %get3A_1322 = arith.index_cast %get3A_1321 : i32 to index
      %get3A_1323 = arith.constant 0 : index
      %get3A_1324 = tpu.vector_load %arg10[%get3A_1322, %get3A_1323] {strides = array<i32>} : memref<200x16xf32, #tpu.memory_space<vmem>>, vector<1x16xf32>,
      %get3A_1325 = vector.shape_cast %get3A_1324 : vector<1x16xf32> to vector<16xf32>
      %add3A_1326 = arith.addf %add3A_1302, %get3A_1325 : vector<16xf32>
      %get3A_1327 = arith.constant 117 : i32
      %get3A_1328 = arith.index_cast %get3A_1327 : i32 to index
      %get3A_1329 = arith.constant 0 : index
      %get3A_1330 = tpu.vector_load %arg10[%get3A_1328, %get3A_1329] {strides = array<i32>} : memref<200x16xf32, #tpu.memory_space<vmem>>, vector<1x16xf32>,
      %get3A_1331 = vector.shape_cast %get3A_1330 : vector<1x16xf32> to vector<16xf32>
      %add3A_1332 = arith.addf %add3A_1308, %get3A_1331 : vector<16xf32>
      %get3A_1333 = arith.constant 118 : i32
      %get3A_1334 = arith.index_cast %get3A_1333 : i32 to index
      %get3A_1335 = arith.constant 0 : index
      %get3A_1336 = tpu.vector_load %arg10[%get3A_1334, %get3A_1335] {strides = array<i32>} : memref<200x16xf32, #tpu.memory_space<vmem>>, vector<1x16xf32>,
      %get3A_1337 = vector.shape_cast %get3A_1336 : vector<1x16xf32> to vector<16xf32>
      %add3A_1338 = arith.addf %add3A_1314, %get3A_1337 : vector<16xf32>
      %get3A_1339 = arith.constant 119 : i32
      %get3A_1340 = arith.index_cast %get3A_1339 : i32 to index
      %get3A_1341 = arith.constant 0 : index
      %get3A_1342 = tpu.vector_load %arg10[%get3A_1340, %get3A_1341] {strides = array<i32>} : memref<200x16xf32, #tpu.memory_space<vmem>>, vector<1x16xf32>,
      %get3A_1343 = vector.shape_cast %get3A_1342 : vector<1x16xf32> to vector<16xf32>
      %add3A_1344 = arith.addf %add3A_1320, %get3A_1343 : vector<16xf32>
      %get3A_1345 = arith.constant 120 : i32
      %get3A_1346 = arith.index_cast %get3A_1345 : i32 to index
      %get3A_1347 = arith.constant 0 : index
      %get3A_1348 = tpu.vector_load %arg10[%get3A_1346, %get3A_1347] {strides = array<i32>} : memref<200x16xf32, #tpu.memory_space<vmem>>, vector<1x16xf32>,
      %get3A_1349 = vector.shape_cast %get3A_1348 : vector<1x16xf32> to vector<16xf32>
      %add3A_1350 = arith.addf %add3A_1326, %get3A_1349 : vector<16xf32>
      %get3A_1351 = arith.constant 121 : i32
      %get3A_1352 = arith.index_cast %get3A_1351 : i32 to index
      %get3A_1353 = arith.constant 0 : index
      %get3A_1354 = tpu.vector_load %arg10[%get3A_1352, %get3A_1353] {strides = array<i32>} : memref<200x16xf32, #tpu.memory_space<vmem>>, vector<1x16xf32>,
      %get3A_1355 = vector.shape_cast %get3A_1354 : vector<1x16xf32> to vector<16xf32>
      %add3A_1356 = arith.addf %add3A_1332, %get3A_1355 : vector<16xf32>
      %get3A_1357 = arith.constant 122 : i32
      %get3A_1358 = arith.index_cast %get3A_1357 : i32 to index
      %get3A_1359 = arith.constant 0 : index
      %get3A_1360 = tpu.vector_load %arg10[%get3A_1358, %get3A_1359] {strides = array<i32>} : memref<200x16xf32, #tpu.memory_space<vmem>>, vector<1x16xf32>,
      %get3A_1361 = vector.shape_cast %get3A_1360 : vector<1x16xf32> to vector<16xf32>
      %add3A_1362 = arith.addf %add3A_1338, %get3A_1361 : vector<16xf32>
      %get3A_1363 = arith.constant 123 : i32
      %get3A_1364 = arith.index_cast %get3A_1363 : i32 to index
      %get3A_1365 = arith.constant 0 : index
      %get3A_1366 = tpu.vector_load %arg10[%get3A_1364, %get3A_1365] {strides = array<i32>} : memref<200x16xf32, #tpu.memory_space<vmem>>, vector<1x16xf32>,
      %get3A_1367 = vector.shape_cast %get3A_1366 : vector<1x16xf32> to vector<16xf32>
      %add3A_1368 = arith.addf %add3A_1344, %get3A_1367 : vector<16xf32>
      %get3A_1369 = arith.constant 124 : i32
      %get3A_1370 = arith.index_cast %get3A_1369 : i32 to index
      %get3A_1371 = arith.constant 0 : index
      %get3A_1372 = tpu.vector_load %arg10[%get3A_1370, %get3A_1371] {strides = array<i32>} : memref<200x16xf32, #tpu.memory_space<vmem>>, vector<1x16xf32>,
      %get3A_1373 = vector.shape_cast %get3A_1372 : vector<1x16xf32> to vector<16xf32>
      %add3A_1374 = arith.addf %add3A_1350, %get3A_1373 : vector<16xf32>
      %get3A_1375 = arith.constant 125 : i32
      %get3A_1376 = arith.index_cast %get3A_1375 : i32 to index
      %get3A_1377 = arith.constant 0 : index
      %get3A_1378 = tpu.vector_load %arg10[%get3A_1376, %get3A_1377] {strides = array<i32>} : memref<200x16xf32, #tpu.memory_space<vmem>>, vector<1x16xf32>,
      %get3A_1379 = vector.shape_cast %get3A_1378 : vector<1x16xf32> to vector<16xf32>
      %add3A_1380 = arith.addf %add3A_1356, %get3A_1379 : vector<16xf32>
      %get3A_1381 = arith.constant 126 : i32
      %get3A_1382 = arith.index_cast %get3A_1381 : i32 to index
      %get3A_1383 = arith.constant 0 : index
      %get3A_1384 = tpu.vector_load %arg10[%get3A_1382, %get3A_1383] {strides = array<i32>} : memref<200x16xf32, #tpu.memory_space<vmem>>, vector<1x16xf32>,
      %get3A_1385 = vector.shape_cast %get3A_1384 : vector<1x16xf32> to vector<16xf32>
      %add3A_1386 = arith.addf %add3A_1362, %get3A_1385 : vector<16xf32>
      %get3A_1387 = arith.constant 127 : i32
      %get3A_1388 = arith.index_cast %get3A_1387 : i32 to index
      %get3A_1389 = arith.constant 0 : index
      %get3A_1390 = tpu.vector_load %arg10[%get3A_1388, %get3A_1389] {strides = array<i32>} : memref<200x16xf32, #tpu.memory_space<vmem>>, vector<1x16xf32>,
      %get3A_1391 = vector.shape_cast %get3A_1390 : vector<1x16xf32> to vector<16xf32>
      %add3A_1392 = arith.addf %add3A_1368, %get3A_1391 : vector<16xf32>
      %get3A_1393 = arith.constant 128 : i32
      %get3A_1394 = arith.index_cast %get3A_1393 : i32 to index
      %get3A_1395 = arith.constant 0 : index
      %get3A_1396 = tpu.vector_load %arg10[%get3A_1394, %get3A_1395] {strides = array<i32>} : memref<200x16xf32, #tpu.memory_space<vmem>>, vector<1x16xf32>,
      %get3A_1397 = vector.shape_cast %get3A_1396 : vector<1x16xf32> to vector<16xf32>
      %add3A_1398 = arith.addf %add3A_1374, %get3A_1397 : vector<16xf32>
      %get3A_1399 = arith.constant 129 : i32
      %get3A_1400 = arith.index_cast %get3A_1399 : i32 to index
      %get3A_1401 = arith.constant 0 : index
      %get3A_1402 = tpu.vector_load %arg10[%get3A_1400, %get3A_1401] {strides = array<i32>} : memref<200x16xf32, #tpu.memory_space<vmem>>, vector<1x16xf32>,
      %get3A_1403 = vector.shape_cast %get3A_1402 : vector<1x16xf32> to vector<16xf32>
      %add3A_1404 = arith.addf %add3A_1380, %get3A_1403 : vector<16xf32>
      %get3A_1405 = arith.constant 130 : i32
      %get3A_1406 = arith.index_cast %get3A_1405 : i32 to index
      %get3A_1407 = arith.constant 0 : index
      %get3A_1408 = tpu.vector_load %arg10[%get3A_1406, %get3A_1407] {strides = array<i32>} : memref<200x16xf32, #tpu.memory_space<vmem>>, vector<1x16xf32>,
      %get3A_1409 = vector.shape_cast %get3A_1408 : vector<1x16xf32> to vector<16xf32>
      %add3A_1410 = arith.addf %add3A_1386, %get3A_1409 : vector<16xf32>
      %get3A_1411 = arith.constant 131 : i32
      %get3A_1412 = arith.index_cast %get3A_1411 : i32 to index
      %get3A_1413 = arith.constant 0 : index
      %get3A_1414 = tpu.vector_load %arg10[%get3A_1412, %get3A_1413] {strides = array<i32>} : memref<200x16xf32, #tpu.memory_space<vmem>>, vector<1x16xf32>,
      %get3A_1415 = vector.shape_cast %get3A_1414 : vector<1x16xf32> to vector<16xf32>
      %add3A_1416 = arith.addf %add3A_1392, %get3A_1415 : vector<16xf32>
      %get3A_1417 = arith.constant 132 : i32
      %get3A_1418 = arith.index_cast %get3A_1417 : i32 to index
      %get3A_1419 = arith.constant 0 : index
      %get3A_1420 = tpu.vector_load %arg10[%get3A_1418, %get3A_1419] {strides = array<i32>} : memref<200x16xf32, #tpu.memory_space<vmem>>, vector<1x16xf32>,
      %get3A_1421 = vector.shape_cast %get3A_1420 : vector<1x16xf32> to vector<16xf32>
      %add3A_1422 = arith.addf %add3A_1398, %get3A_1421 : vector<16xf32>
      %get3A_1423 = arith.constant 133 : i32
      %get3A_1424 = arith.index_cast %get3A_1423 : i32 to index
      %get3A_1425 = arith.constant 0 : index
      %get3A_1426 = tpu.vector_load %arg10[%get3A_1424, %get3A_1425] {strides = array<i32>} : memref<200x16xf32, #tpu.memory_space<vmem>>, vector<1x16xf32>,
      %get3A_1427 = vector.shape_cast %get3A_1426 : vector<1x16xf32> to vector<16xf32>
      %add3A_1428 = arith.addf %add3A_1404, %get3A_1427 : vector<16xf32>
      %get3A_1429 = arith.constant 134 : i32
      %get3A_1430 = arith.index_cast %get3A_1429 : i32 to index
      %get3A_1431 = arith.constant 0 : index
      %get3A_1432 = tpu.vector_load %arg10[%get3A_1430, %get3A_1431] {strides = array<i32>} : memref<200x16xf32, #tpu.memory_space<vmem>>, vector<1x16xf32>,
      %get3A_1433 = vector.shape_cast %get3A_1432 : vector<1x16xf32> to vector<16xf32>
      %add3A_1434 = arith.addf %add3A_1410, %get3A_1433 : vector<16xf32>
      %get3A_1435 = arith.constant 135 : i32
      %get3A_1436 = arith.index_cast %get3A_1435 : i32 to index
      %get3A_1437 = arith.constant 0 : index
      %get3A_1438 = tpu.vector_load %arg10[%get3A_1436, %get3A_1437] {strides = array<i32>} : memref<200x16xf32, #tpu.memory_space<vmem>>, vector<1x16xf32>,
      %get3A_1439 = vector.shape_cast %get3A_1438 : vector<1x16xf32> to vector<16xf32>
      %add3A_1440 = arith.addf %add3A_1416, %get3A_1439 : vector<16xf32>
      %get3A_1441 = arith.constant 136 : i32
      %get3A_1442 = arith.index_cast %get3A_1441 : i32 to index
      %get3A_1443 = arith.constant 0 : index
      %get3A_1444 = tpu.vector_load %arg10[%get3A_1442, %get3A_1443] {strides = array<i32>} : memref<200x16xf32, #tpu.memory_space<vmem>>, vector<1x16xf32>,
      %get3A_1445 = vector.shape_cast %get3A_1444 : vector<1x16xf32> to vector<16xf32>
      %add3A_1446 = arith.addf %add3A_1422, %get3A_1445 : vector<16xf32>
      %get3A_1447 = arith.constant 137 : i32
      %get3A_1448 = arith.index_cast %get3A_1447 : i32 to index
      %get3A_1449 = arith.constant 0 : index
      %get3A_1450 = tpu.vector_load %arg10[%get3A_1448, %get3A_1449] {strides = array<i32>} : memref<200x16xf32, #tpu.memory_space<vmem>>, vector<1x16xf32>,
      %get3A_1451 = vector.shape_cast %get3A_1450 : vector<1x16xf32> to vector<16xf32>
      %add3A_1452 = arith.addf %add3A_1428, %get3A_1451 : vector<16xf32>
      %get3A_1453 = arith.constant 138 : i32
      %get3A_1454 = arith.index_cast %get3A_1453 : i32 to index
      %get3A_1455 = arith.constant 0 : index
      %get3A_1456 = tpu.vector_load %arg10[%get3A_1454, %get3A_1455] {strides = array<i32>} : memref<200x16xf32, #tpu.memory_space<vmem>>, vector<1x16xf32>,
      %get3A_1457 = vector.shape_cast %get3A_1456 : vector<1x16xf32> to vector<16xf32>
      %add3A_1458 = arith.addf %add3A_1434, %get3A_1457 : vector<16xf32>
      %get3A_1459 = arith.constant 139 : i32
      %get3A_1460 = arith.index_cast %get3A_1459 : i32 to index
      %get3A_1461 = arith.constant 0 : index
      %get3A_1462 = tpu.vector_load %arg10[%get3A_1460, %get3A_1461] {strides = array<i32>} : memref<200x16xf32, #tpu.memory_space<vmem>>, vector<1x16xf32>,
      %get3A_1463 = vector.shape_cast %get3A_1462 : vector<1x16xf32> to vector<16xf32>
      %add3A_1464 = arith.addf %add3A_1440, %get3A_1463 : vector<16xf32>
      %get3A_1465 = arith.constant 140 : i32
      %get3A_1466 = arith.index_cast %get3A_1465 : i32 to index
      %get3A_1467 = arith.constant 0 : index
      %get3A_1468 = tpu.vector_load %arg10[%get3A_1466, %get3A_1467] {strides = array<i32>} : memref<200x16xf32, #tpu.memory_space<vmem>>, vector<1x16xf32>,
      %get3A_1469 = vector.shape_cast %get3A_1468 : vector<1x16xf32> to vector<16xf32>
      %add3A_1470 = arith.addf %add3A_1446, %get3A_1469 : vector<16xf32>
      %get3A_1471 = arith.constant 141 : i32
      %get3A_1472 = arith.index_cast %get3A_1471 : i32 to index
      %get3A_1473 = arith.constant 0 : index
      %get3A_1474 = tpu.vector_load %arg10[%get3A_1472, %get3A_1473] {strides = array<i32>} : memref<200x16xf32, #tpu.memory_space<vmem>>, vector<1x16xf32>,
      %get3A_1475 = vector.shape_cast %get3A_1474 : vector<1x16xf32> to vector<16xf32>
      %add3A_1476 = arith.addf %add3A_1452, %get3A_1475 : vector<16xf32>
      %get3A_1477 = arith.constant 142 : i32
      %get3A_1478 = arith.index_cast %get3A_1477 : i32 to index
      %get3A_1479 = arith.constant 0 : index
      %get3A_1480 = tpu.vector_load %arg10[%get3A_1478, %get3A_1479] {strides = array<i32>} : memref<200x16xf32, #tpu.memory_space<vmem>>, vector<1x16xf32>,
      %get3A_1481 = vector.shape_cast %get3A_1480 : vector<1x16xf32> to vector<16xf32>
      %add3A_1482 = arith.addf %add3A_1458, %get3A_1481 : vector<16xf32>
      %get3A_1483 = arith.constant 143 : i32
      %get3A_1484 = arith.index_cast %get3A_1483 : i32 to index
      %get3A_1485 = arith.constant 0 : index
      %get3A_1486 = tpu.vector_load %arg10[%get3A_1484, %get3A_1485] {strides = array<i32>} : memref<200x16xf32, #tpu.memory_space<vmem>>, vector<1x16xf32>,
      %get3A_1487 = vector.shape_cast %get3A_1486 : vector<1x16xf32> to vector<16xf32>
      %add3A_1488 = arith.addf %add3A_1464, %get3A_1487 : vector<16xf32>
      %get3A_1489 = arith.constant 144 : i32
      %get3A_1490 = arith.index_cast %get3A_1489 : i32 to index
      %get3A_1491 = arith.constant 0 : index
      %get3A_1492 = tpu.vector_load %arg10[%get3A_1490, %get3A_1491] {strides = array<i32>} : memref<200x16xf32, #tpu.memory_space<vmem>>, vector<1x16xf32>,
      %get3A_1493 = vector.shape_cast %get3A_1492 : vector<1x16xf32> to vector<16xf32>
      %add3A_1494 = arith.addf %add3A_1470, %get3A_1493 : vector<16xf32>
      %get3A_1495 = arith.constant 145 : i32
      %get3A_1496 = arith.index_cast %get3A_1495 : i32 to index
      %get3A_1497 = arith.constant 0 : index
      %get3A_1498 = tpu.vector_load %arg10[%get3A_1496, %get3A_1497] {strides = array<i32>} : memref<200x16xf32, #tpu.memory_space<vmem>>, vector<1x16xf32>,
      %get3A_1499 = vector.shape_cast %get3A_1498 : vector<1x16xf32> to vector<16xf32>
      %add3A_1500 = arith.addf %add3A_1476, %get3A_1499 : vector<16xf32>
      %get3A_1501 = arith.constant 146 : i32
      %get3A_1502 = arith.index_cast %get3A_1501 : i32 to index
      %get3A_1503 = arith.constant 0 : index
      %get3A_1504 = tpu.vector_load %arg10[%get3A_1502, %get3A_1503] {strides = array<i32>} : memref<200x16xf32, #tpu.memory_space<vmem>>, vector<1x16xf32>,
      %get3A_1505 = vector.shape_cast %get3A_1504 : vector<1x16xf32> to vector<16xf32>
      %add3A_1506 = arith.addf %add3A_1482, %get3A_1505 : vector<16xf32>
      %get3A_1507 = arith.constant 147 : i32
      %get3A_1508 = arith.index_cast %get3A_1507 : i32 to index
      %get3A_1509 = arith.constant 0 : index
      %get3A_1510 = tpu.vector_load %arg10[%get3A_1508, %get3A_1509] {strides = array<i32>} : memref<200x16xf32, #tpu.memory_space<vmem>>, vector<1x16xf32>,
      %get3A_1511 = vector.shape_cast %get3A_1510 : vector<1x16xf32> to vector<16xf32>
      %add3A_1512 = arith.addf %add3A_1488, %get3A_1511 : vector<16xf32>
      %get3A_1513 = arith.constant 148 : i32
      %get3A_1514 = arith.index_cast %get3A_1513 : i32 to index
      %get3A_1515 = arith.constant 0 : index
      %get3A_1516 = tpu.vector_load %arg10[%get3A_1514, %get3A_1515] {strides = array<i32>} : memref<200x16xf32, #tpu.memory_space<vmem>>, vector<1x16xf32>,
      %get3A_1517 = vector.shape_cast %get3A_1516 : vector<1x16xf32> to vector<16xf32>
      %add3A_1518 = arith.addf %add3A_1494, %get3A_1517 : vector<16xf32>
      %get3A_1519 = arith.constant 149 : i32
      %get3A_1520 = arith.index_cast %get3A_1519 : i32 to index
      %get3A_1521 = arith.constant 0 : index
      %get3A_1522 = tpu.vector_load %arg10[%get3A_1520, %get3A_1521] {strides = array<i32>} : memref<200x16xf32, #tpu.memory_space<vmem>>, vector<1x16xf32>,
      %get3A_1523 = vector.shape_cast %get3A_1522 : vector<1x16xf32> to vector<16xf32>
      %add3A_1524 = arith.addf %add3A_1500, %get3A_1523 : vector<16xf32>
      %get3A_1525 = arith.constant 150 : i32
      %get3A_1526 = arith.index_cast %get3A_1525 : i32 to index
      %get3A_1527 = arith.constant 0 : index
      %get3A_1528 = tpu.vector_load %arg10[%get3A_1526, %get3A_1527] {strides = array<i32>} : memref<200x16xf32, #tpu.memory_space<vmem>>, vector<1x16xf32>,
      %get3A_1529 = vector.shape_cast %get3A_1528 : vector<1x16xf32> to vector<16xf32>
      %add3A_1530 = arith.addf %add3A_1506, %get3A_1529 : vector<16xf32>
      %get3A_1531 = arith.constant 151 : i32
      %get3A_1532 = arith.index_cast %get3A_1531 : i32 to index
      %get3A_1533 = arith.constant 0 : index
      %get3A_1534 = tpu.vector_load %arg10[%get3A_1532, %get3A_1533] {strides = array<i32>} : memref<200x16xf32, #tpu.memory_space<vmem>>, vector<1x16xf32>,
      %get3A_1535 = vector.shape_cast %get3A_1534 : vector<1x16xf32> to vector<16xf32>
      %add3A_1536 = arith.addf %add3A_1512, %get3A_1535 : vector<16xf32>
      %get3A_1537 = arith.constant 152 : i32
      %get3A_1538 = arith.index_cast %get3A_1537 : i32 to index
      %get3A_1539 = arith.constant 0 : index
      %get3A_1540 = tpu.vector_load %arg10[%get3A_1538, %get3A_1539] {strides = array<i32>} : memref<200x16xf32, #tpu.memory_space<vmem>>, vector<1x16xf32>,
      %get3A_1541 = vector.shape_cast %get3A_1540 : vector<1x16xf32> to vector<16xf32>
      %add3A_1542 = arith.addf %add3A_1518, %get3A_1541 : vector<16xf32>
      %get3A_1543 = arith.constant 153 : i32
      %get3A_1544 = arith.index_cast %get3A_1543 : i32 to index
      %get3A_1545 = arith.constant 0 : index
      %get3A_1546 = tpu.vector_load %arg10[%get3A_1544, %get3A_1545] {strides = array<i32>} : memref<200x16xf32, #tpu.memory_space<vmem>>, vector<1x16xf32>,
      %get3A_1547 = vector.shape_cast %get3A_1546 : vector<1x16xf32> to vector<16xf32>
      %add3A_1548 = arith.addf %add3A_1524, %get3A_1547 : vector<16xf32>
      %get3A_1549 = arith.constant 154 : i32
      %get3A_1550 = arith.index_cast %get3A_1549 : i32 to index
      %get3A_1551 = arith.constant 0 : index
      %get3A_1552 = tpu.vector_load %arg10[%get3A_1550, %get3A_1551] {strides = array<i32>} : memref<200x16xf32, #tpu.memory_space<vmem>>, vector<1x16xf32>,
      %get3A_1553 = vector.shape_cast %get3A_1552 : vector<1x16xf32> to vector<16xf32>
      %add3A_1554 = arith.addf %add3A_1530, %get3A_1553 : vector<16xf32>
      %get3A_1555 = arith.constant 155 : i32
      %get3A_1556 = arith.index_cast %get3A_1555 : i32 to index
      %get3A_1557 = arith.constant 0 : index
      %get3A_1558 = tpu.vector_load %arg10[%get3A_1556, %get3A_1557] {strides = array<i32>} : memref<200x16xf32, #tpu.memory_space<vmem>>, vector<1x16xf32>,
      %get3A_1559 = vector.shape_cast %get3A_1558 : vector<1x16xf32> to vector<16xf32>
      %add3A_1560 = arith.addf %add3A_1536, %get3A_1559 : vector<16xf32>
      %get3A_1561 = arith.constant 156 : i32
      %get3A_1562 = arith.index_cast %get3A_1561 : i32 to index
      %get3A_1563 = arith.constant 0 : index
      %get3A_1564 = tpu.vector_load %arg10[%get3A_1562, %get3A_1563] {strides = array<i32>} : memref<200x16xf32, #tpu.memory_space<vmem>>, vector<1x16xf32>,
      %get3A_1565 = vector.shape_cast %get3A_1564 : vector<1x16xf32> to vector<16xf32>
      %add3A_1566 = arith.addf %add3A_1542, %get3A_1565 : vector<16xf32>
      %get3A_1567 = arith.constant 157 : i32
      %get3A_1568 = arith.index_cast %get3A_1567 : i32 to index
      %get3A_1569 = arith.constant 0 : index
      %get3A_1570 = tpu.vector_load %arg10[%get3A_1568, %get3A_1569] {strides = array<i32>} : memref<200x16xf32, #tpu.memory_space<vmem>>, vector<1x16xf32>,
      %get3A_1571 = vector.shape_cast %get3A_1570 : vector<1x16xf32> to vector<16xf32>
      %add3A_1572 = arith.addf %add3A_1548, %get3A_1571 : vector<16xf32>
      %get3A_1573 = arith.constant 158 : i32
      %get3A_1574 = arith.index_cast %get3A_1573 : i32 to index
      %get3A_1575 = arith.constant 0 : index
      %get3A_1576 = tpu.vector_load %arg10[%get3A_1574, %get3A_1575] {strides = array<i32>} : memref<200x16xf32, #tpu.memory_space<vmem>>, vector<1x16xf32>,
      %get3A_1577 = vector.shape_cast %get3A_1576 : vector<1x16xf32> to vector<16xf32>
      %add3A_1578 = arith.addf %add3A_1554, %get3A_1577 : vector<16xf32>
      %get3A_1579 = arith.constant 159 : i32
      %get3A_1580 = arith.index_cast %get3A_1579 : i32 to index
      %get3A_1581 = arith.constant 0 : index
      %get3A_1582 = tpu.vector_load %arg10[%get3A_1580, %get3A_1581] {strides = array<i32>} : memref<200x16xf32, #tpu.memory_space<vmem>>, vector<1x16xf32>,
      %get3A_1583 = vector.shape_cast %get3A_1582 : vector<1x16xf32> to vector<16xf32>
      %add3A_1584 = arith.addf %add3A_1560, %get3A_1583 : vector<16xf32>
      %get3A_1585 = arith.constant 160 : i32
      %get3A_1586 = arith.index_cast %get3A_1585 : i32 to index
      %get3A_1587 = arith.constant 0 : index
      %get3A_1588 = tpu.vector_load %arg10[%get3A_1586, %get3A_1587] {strides = array<i32>} : memref<200x16xf32, #tpu.memory_space<vmem>>, vector<1x16xf32>,
      %get3A_1589 = vector.shape_cast %get3A_1588 : vector<1x16xf32> to vector<16xf32>
      %add3A_1590 = arith.addf %add3A_1566, %get3A_1589 : vector<16xf32>
      %get3A_1591 = arith.constant 161 : i32
      %get3A_1592 = arith.index_cast %get3A_1591 : i32 to index
      %get3A_1593 = arith.constant 0 : index
      %get3A_1594 = tpu.vector_load %arg10[%get3A_1592, %get3A_1593] {strides = array<i32>} : memref<200x16xf32, #tpu.memory_space<vmem>>, vector<1x16xf32>,
      %get3A_1595 = vector.shape_cast %get3A_1594 : vector<1x16xf32> to vector<16xf32>
      %add3A_1596 = arith.addf %add3A_1572, %get3A_1595 : vector<16xf32>
      %get3A_1597 = arith.constant 162 : i32
      %get3A_1598 = arith.index_cast %get3A_1597 : i32 to index
      %get3A_1599 = arith.constant 0 : index
      %get3A_1600 = tpu.vector_load %arg10[%get3A_1598, %get3A_1599] {strides = array<i32>} : memref<200x16xf32, #tpu.memory_space<vmem>>, vector<1x16xf32>,
      %get3A_1601 = vector.shape_cast %get3A_1600 : vector<1x16xf32> to vector<16xf32>
      %add3A_1602 = arith.addf %add3A_1578, %get3A_1601 : vector<16xf32>
      %get3A_1603 = arith.constant 163 : i32
      %get3A_1604 = arith.index_cast %get3A_1603 : i32 to index
      %get3A_1605 = arith.constant 0 : index
      %get3A_1606 = tpu.vector_load %arg10[%get3A_1604, %get3A_1605] {strides = array<i32>} : memref<200x16xf32, #tpu.memory_space<vmem>>, vector<1x16xf32>,
      %get3A_1607 = vector.shape_cast %get3A_1606 : vector<1x16xf32> to vector<16xf32>
      %add3A_1608 = arith.addf %add3A_1584, %get3A_1607 : vector<16xf32>
      %get3A_1609 = arith.constant 164 : i32
      %get3A_1610 = arith.index_cast %get3A_1609 : i32 to index
      %get3A_1611 = arith.constant 0 : index
      %get3A_1612 = tpu.vector_load %arg10[%get3A_1610, %get3A_1611] {strides = array<i32>} : memref<200x16xf32, #tpu.memory_space<vmem>>, vector<1x16xf32>,
      %get3A_1613 = vector.shape_cast %get3A_1612 : vector<1x16xf32> to vector<16xf32>
      %add3A_1614 = arith.addf %add3A_1590, %get3A_1613 : vector<16xf32>
      %get3A_1615 = arith.constant 165 : i32
      %get3A_1616 = arith.index_cast %get3A_1615 : i32 to index
      %get3A_1617 = arith.constant 0 : index
      %get3A_1618 = tpu.vector_load %arg10[%get3A_1616, %get3A_1617] {strides = array<i32>} : memref<200x16xf32, #tpu.memory_space<vmem>>, vector<1x16xf32>,
      %get3A_1619 = vector.shape_cast %get3A_1618 : vector<1x16xf32> to vector<16xf32>
      %add3A_1620 = arith.addf %add3A_1596, %get3A_1619 : vector<16xf32>
      %get3A_1621 = arith.constant 166 : i32
      %get3A_1622 = arith.index_cast %get3A_1621 : i32 to index
      %get3A_1623 = arith.constant 0 : index
      %get3A_1624 = tpu.vector_load %arg10[%get3A_1622, %get3A_1623] {strides = array<i32>} : memref<200x16xf32, #tpu.memory_space<vmem>>, vector<1x16xf32>,
      %get3A_1625 = vector.shape_cast %get3A_1624 : vector<1x16xf32> to vector<16xf32>
      %add3A_1626 = arith.addf %add3A_1602, %get3A_1625 : vector<16xf32>
      %get3A_1627 = arith.constant 167 : i32
      %get3A_1628 = arith.index_cast %get3A_1627 : i32 to index
      %get3A_1629 = arith.constant 0 : index
      %get3A_1630 = tpu.vector_load %arg10[%get3A_1628, %get3A_1629] {strides = array<i32>} : memref<200x16xf32, #tpu.memory_space<vmem>>, vector<1x16xf32>,
      %get3A_1631 = vector.shape_cast %get3A_1630 : vector<1x16xf32> to vector<16xf32>
      %add3A_1632 = arith.addf %add3A_1608, %get3A_1631 : vector<16xf32>
      %get3A_1633 = arith.constant 168 : i32
      %get3A_1634 = arith.index_cast %get3A_1633 : i32 to index
      %get3A_1635 = arith.constant 0 : index
      %get3A_1636 = tpu.vector_load %arg10[%get3A_1634, %get3A_1635] {strides = array<i32>} : memref<200x16xf32, #tpu.memory_space<vmem>>, vector<1x16xf32>,
      %get3A_1637 = vector.shape_cast %get3A_1636 : vector<1x16xf32> to vector<16xf32>
      %add3A_1638 = arith.addf %add3A_1614, %get3A_1637 : vector<16xf32>
      %get3A_1639 = arith.constant 169 : i32
      %get3A_1640 = arith.index_cast %get3A_1639 : i32 to index
      %get3A_1641 = arith.constant 0 : index
      %get3A_1642 = tpu.vector_load %arg10[%get3A_1640, %get3A_1641] {strides = array<i32>} : memref<200x16xf32, #tpu.memory_space<vmem>>, vector<1x16xf32>,
      %get3A_1643 = vector.shape_cast %get3A_1642 : vector<1x16xf32> to vector<16xf32>
      %add3A_1644 = arith.addf %add3A_1620, %get3A_1643 : vector<16xf32>
      %get3A_1645 = arith.constant 170 : i32
      %get3A_1646 = arith.index_cast %get3A_1645 : i32 to index
      %get3A_1647 = arith.constant 0 : index
      %get3A_1648 = tpu.vector_load %arg10[%get3A_1646, %get3A_1647] {strides = array<i32>} : memref<200x16xf32, #tpu.memory_space<vmem>>, vector<1x16xf32>,
      %get3A_1649 = vector.shape_cast %get3A_1648 : vector<1x16xf32> to vector<16xf32>
      %add3A_1650 = arith.addf %add3A_1626, %get3A_1649 : vector<16xf32>
      %get3A_1651 = arith.constant 171 : i32
      %get3A_1652 = arith.index_cast %get3A_1651 : i32 to index
      %get3A_1653 = arith.constant 0 : index
      %get3A_1654 = tpu.vector_load %arg10[%get3A_1652, %get3A_1653] {strides = array<i32>} : memref<200x16xf32, #tpu.memory_space<vmem>>, vector<1x16xf32>,
      %get3A_1655 = vector.shape_cast %get3A_1654 : vector<1x16xf32> to vector<16xf32>
      %add3A_1656 = arith.addf %add3A_1632, %get3A_1655 : vector<16xf32>
      %get3A_1657 = arith.constant 172 : i32
      %get3A_1658 = arith.index_cast %get3A_1657 : i32 to index
      %get3A_1659 = arith.constant 0 : index
      %get3A_1660 = tpu.vector_load %arg10[%get3A_1658, %get3A_1659] {strides = array<i32>} : memref<200x16xf32, #tpu.memory_space<vmem>>, vector<1x16xf32>,
      %get3A_1661 = vector.shape_cast %get3A_1660 : vector<1x16xf32> to vector<16xf32>
      %add3A_1662 = arith.addf %add3A_1638, %get3A_1661 : vector<16xf32>
      %get3A_1663 = arith.constant 173 : i32
      %get3A_1664 = arith.index_cast %get3A_1663 : i32 to index
      %get3A_1665 = arith.constant 0 : index
      %get3A_1666 = tpu.vector_load %arg10[%get3A_1664, %get3A_1665] {strides = array<i32>} : memref<200x16xf32, #tpu.memory_space<vmem>>, vector<1x16xf32>,
      %get3A_1667 = vector.shape_cast %get3A_1666 : vector<1x16xf32> to vector<16xf32>
      %add3A_1668 = arith.addf %add3A_1644, %get3A_1667 : vector<16xf32>
      %get3A_1669 = arith.constant 174 : i32
      %get3A_1670 = arith.index_cast %get3A_1669 : i32 to index
      %get3A_1671 = arith.constant 0 : index
      %get3A_1672 = tpu.vector_load %arg10[%get3A_1670, %get3A_1671] {strides = array<i32>} : memref<200x16xf32, #tpu.memory_space<vmem>>, vector<1x16xf32>,
      %get3A_1673 = vector.shape_cast %get3A_1672 : vector<1x16xf32> to vector<16xf32>
      %add3A_1674 = arith.addf %add3A_1650, %get3A_1673 : vector<16xf32>
      %get3A_1675 = arith.constant 175 : i32
      %get3A_1676 = arith.index_cast %get3A_1675 : i32 to index
      %get3A_1677 = arith.constant 0 : index
      %get3A_1678 = tpu.vector_load %arg10[%get3A_1676, %get3A_1677] {strides = array<i32>} : memref<200x16xf32, #tpu.memory_space<vmem>>, vector<1x16xf32>,
      %get3A_1679 = vector.shape_cast %get3A_1678 : vector<1x16xf32> to vector<16xf32>
      %add3A_1680 = arith.addf %add3A_1656, %get3A_1679 : vector<16xf32>
      %get3A_1681 = arith.constant 176 : i32
      %get3A_1682 = arith.index_cast %get3A_1681 : i32 to index
      %get3A_1683 = arith.constant 0 : index
      %get3A_1684 = tpu.vector_load %arg10[%get3A_1682, %get3A_1683] {strides = array<i32>} : memref<200x16xf32, #tpu.memory_space<vmem>>, vector<1x16xf32>,
      %get3A_1685 = vector.shape_cast %get3A_1684 : vector<1x16xf32> to vector<16xf32>
      %add3A_1686 = arith.addf %add3A_1662, %get3A_1685 : vector<16xf32>
      %get3A_1687 = arith.constant 177 : i32
      %get3A_1688 = arith.index_cast %get3A_1687 : i32 to index
      %get3A_1689 = arith.constant 0 : index
      %get3A_1690 = tpu.vector_load %arg10[%get3A_1688, %get3A_1689] {strides = array<i32>} : memref<200x16xf32, #tpu.memory_space<vmem>>, vector<1x16xf32>,
      %get3A_1691 = vector.shape_cast %get3A_1690 : vector<1x16xf32> to vector<16xf32>
      %add3A_1692 = arith.addf %add3A_1668, %get3A_1691 : vector<16xf32>
      %get3A_1693 = arith.constant 178 : i32
      %get3A_1694 = arith.index_cast %get3A_1693 : i32 to index
      %get3A_1695 = arith.constant 0 : index
      %get3A_1696 = tpu.vector_load %arg10[%get3A_1694, %get3A_1695] {strides = array<i32>} : memref<200x16xf32, #tpu.memory_space<vmem>>, vector<1x16xf32>,
      %get3A_1697 = vector.shape_cast %get3A_1696 : vector<1x16xf32> to vector<16xf32>
      %add3A_1698 = arith.addf %add3A_1674, %get3A_1697 : vector<16xf32>
      %get3A_1699 = arith.constant 179 : i32
      %get3A_1700 = arith.index_cast %get3A_1699 : i32 to index
      %get3A_1701 = arith.constant 0 : index
      %get3A_1702 = tpu.vector_load %arg10[%get3A_1700, %get3A_1701] {strides = array<i32>} : memref<200x16xf32, #tpu.memory_space<vmem>>, vector<1x16xf32>,
      %get3A_1703 = vector.shape_cast %get3A_1702 : vector<1x16xf32> to vector<16xf32>
      %add3A_1704 = arith.addf %add3A_1680, %get3A_1703 : vector<16xf32>
      %get3A_1705 = arith.constant 180 : i32
      %get3A_1706 = arith.index_cast %get3A_1705 : i32 to index
      %get3A_1707 = arith.constant 0 : index
      %get3A_1708 = tpu.vector_load %arg10[%get3A_1706, %get3A_1707] {strides = array<i32>} : memref<200x16xf32, #tpu.memory_space<vmem>>, vector<1x16xf32>,
      %get3A_1709 = vector.shape_cast %get3A_1708 : vector<1x16xf32> to vector<16xf32>
      %add3A_1710 = arith.addf %add3A_1686, %get3A_1709 : vector<16xf32>
      %get3A_1711 = arith.constant 181 : i32
      %get3A_1712 = arith.index_cast %get3A_1711 : i32 to index
      %get3A_1713 = arith.constant 0 : index
      %get3A_1714 = tpu.vector_load %arg10[%get3A_1712, %get3A_1713] {strides = array<i32>} : memref<200x16xf32, #tpu.memory_space<vmem>>, vector<1x16xf32>,
      %get3A_1715 = vector.shape_cast %get3A_1714 : vector<1x16xf32> to vector<16xf32>
      %add3A_1716 = arith.addf %add3A_1692, %get3A_1715 : vector<16xf32>
      %get3A_1717 = arith.constant 182 : i32
      %get3A_1718 = arith.index_cast %get3A_1717 : i32 to index
      %get3A_1719 = arith.constant 0 : index
      %get3A_1720 = tpu.vector_load %arg10[%get3A_1718, %get3A_1719] {strides = array<i32>} : memref<200x16xf32, #tpu.memory_space<vmem>>, vector<1x16xf32>,
      %get3A_1721 = vector.shape_cast %get3A_1720 : vector<1x16xf32> to vector<16xf32>
      %add3A_1722 = arith.addf %add3A_1698, %get3A_1721 : vector<16xf32>
      %get3A_1723 = arith.constant 183 : i32
      %get3A_1724 = arith.index_cast %get3A_1723 : i32 to index
      %get3A_1725 = arith.constant 0 : index
      %get3A_1726 = tpu.vector_load %arg10[%get3A_1724, %get3A_1725] {strides = array<i32>} : memref<200x16xf32, #tpu.memory_space<vmem>>, vector<1x16xf32>,
      %get3A_1727 = vector.shape_cast %get3A_1726 : vector<1x16xf32> to vector<16xf32>
      %add3A_1728 = arith.addf %add3A_1704, %get3A_1727 : vector<16xf32>
      %get3A_1729 = arith.constant 184 : i32
      %get3A_1730 = arith.index_cast %get3A_1729 : i32 to index
      %get3A_1731 = arith.constant 0 : index
      %get3A_1732 = tpu.vector_load %arg10[%get3A_1730, %get3A_1731] {strides = array<i32>} : memref<200x16xf32, #tpu.memory_space<vmem>>, vector<1x16xf32>,
      %get3A_1733 = vector.shape_cast %get3A_1732 : vector<1x16xf32> to vector<16xf32>
      %add3A_1734 = arith.addf %add3A_1710, %get3A_1733 : vector<16xf32>
      %get3A_1735 = arith.constant 185 : i32
      %get3A_1736 = arith.index_cast %get3A_1735 : i32 to index
      %get3A_1737 = arith.constant 0 : index
      %get3A_1738 = tpu.vector_load %arg10[%get3A_1736, %get3A_1737] {strides = array<i32>} : memref<200x16xf32, #tpu.memory_space<vmem>>, vector<1x16xf32>,
      %get3A_1739 = vector.shape_cast %get3A_1738 : vector<1x16xf32> to vector<16xf32>
      %add3A_1740 = arith.addf %add3A_1716, %get3A_1739 : vector<16xf32>
      %get3A_1741 = arith.constant 186 : i32
      %get3A_1742 = arith.index_cast %get3A_1741 : i32 to index
      %get3A_1743 = arith.constant 0 : index
      %get3A_1744 = tpu.vector_load %arg10[%get3A_1742, %get3A_1743] {strides = array<i32>} : memref<200x16xf32, #tpu.memory_space<vmem>>, vector<1x16xf32>,
      %get3A_1745 = vector.shape_cast %get3A_1744 : vector<1x16xf32> to vector<16xf32>
      %add3A_1746 = arith.addf %add3A_1722, %get3A_1745 : vector<16xf32>
      %get3A_1747 = arith.constant 187 : i32
      %get3A_1748 = arith.index_cast %get3A_1747 : i32 to index
      %get3A_1749 = arith.constant 0 : index
      %get3A_1750 = tpu.vector_load %arg10[%get3A_1748, %get3A_1749] {strides = array<i32>} : memref<200x16xf32, #tpu.memory_space<vmem>>, vector<1x16xf32>,
      %get3A_1751 = vector.shape_cast %get3A_1750 : vector<1x16xf32> to vector<16xf32>
      %add3A_1752 = arith.addf %add3A_1728, %get3A_1751 : vector<16xf32>
      %get3A_1753 = arith.constant 188 : i32
      %get3A_1754 = arith.index_cast %get3A_1753 : i32 to index
      %get3A_1755 = arith.constant 0 : index
      %get3A_1756 = tpu.vector_load %arg10[%get3A_1754, %get3A_1755] {strides = array<i32>} : memref<200x16xf32, #tpu.memory_space<vmem>>, vector<1x16xf32>,
      %get3A_1757 = vector.shape_cast %get3A_1756 : vector<1x16xf32> to vector<16xf32>
      %add3A_1758 = arith.addf %add3A_1734, %get3A_1757 : vector<16xf32>
      %get3A_1759 = arith.constant 189 : i32
      %get3A_1760 = arith.index_cast %get3A_1759 : i32 to index
      %get3A_1761 = arith.constant 0 : index
      %get3A_1762 = tpu.vector_load %arg10[%get3A_1760, %get3A_1761] {strides = array<i32>} : memref<200x16xf32, #tpu.memory_space<vmem>>, vector<1x16xf32>,
      %get3A_1763 = vector.shape_cast %get3A_1762 : vector<1x16xf32> to vector<16xf32>
      %add3A_1764 = arith.addf %add3A_1740, %get3A_1763 : vector<16xf32>
      %get3A_1765 = arith.constant 190 : i32
      %get3A_1766 = arith.index_cast %get3A_1765 : i32 to index
      %get3A_1767 = arith.constant 0 : index
      %get3A_1768 = tpu.vector_load %arg10[%get3A_1766, %get3A_1767] {strides = array<i32>} : memref<200x16xf32, #tpu.memory_space<vmem>>, vector<1x16xf32>,
      %get3A_1769 = vector.shape_cast %get3A_1768 : vector<1x16xf32> to vector<16xf32>
      %add3A_1770 = arith.addf %add3A_1746, %get3A_1769 : vector<16xf32>
      %get3A_1771 = arith.constant 191 : i32
      %get3A_1772 = arith.index_cast %get3A_1771 : i32 to index
      %get3A_1773 = arith.constant 0 : index
      %get3A_1774 = tpu.vector_load %arg10[%get3A_1772, %get3A_1773] {strides = array<i32>} : memref<200x16xf32, #tpu.memory_space<vmem>>, vector<1x16xf32>,
      %get3A_1775 = vector.shape_cast %get3A_1774 : vector<1x16xf32> to vector<16xf32>
      %add3A_1776 = arith.addf %add3A_1752, %get3A_1775 : vector<16xf32>
      %get3A_1777 = arith.constant 192 : i32
      %get3A_1778 = arith.index_cast %get3A_1777 : i32 to index
      %get3A_1779 = arith.constant 0 : index
      %get3A_1780 = tpu.vector_load %arg10[%get3A_1778, %get3A_1779] {strides = array<i32>} : memref<200x16xf32, #tpu.memory_space<vmem>>, vector<1x16xf32>,
      %get3A_1781 = vector.shape_cast %get3A_1780 : vector<1x16xf32> to vector<16xf32>
      %add3A_1782 = arith.addf %add3A_1758, %get3A_1781 : vector<16xf32>
      %get3A_1783 = arith.constant 193 : i32
      %get3A_1784 = arith.index_cast %get3A_1783 : i32 to index
      %get3A_1785 = arith.constant 0 : index
      %get3A_1786 = tpu.vector_load %arg10[%get3A_1784, %get3A_1785] {strides = array<i32>} : memref<200x16xf32, #tpu.memory_space<vmem>>, vector<1x16xf32>,
      %get3A_1787 = vector.shape_cast %get3A_1786 : vector<1x16xf32> to vector<16xf32>
      %add3A_1788 = arith.addf %add3A_1764, %get3A_1787 : vector<16xf32>
      %get3A_1789 = arith.constant 194 : i32
      %get3A_1790 = arith.index_cast %get3A_1789 : i32 to index
      %get3A_1791 = arith.constant 0 : index
      %get3A_1792 = tpu.vector_load %arg10[%get3A_1790, %get3A_1791] {strides = array<i32>} : memref<200x16xf32, #tpu.memory_space<vmem>>, vector<1x16xf32>,
      %get3A_1793 = vector.shape_cast %get3A_1792 : vector<1x16xf32> to vector<16xf32>
      %add3A_1794 = arith.addf %add3A_1770, %get3A_1793 : vector<16xf32>
      %get3A_1795 = arith.constant 195 : i32
      %get3A_1796 = arith.index_cast %get3A_1795 : i32 to index
      %get3A_1797 = arith.constant 0 : index
      %get3A_1798 = tpu.vector_load %arg10[%get3A_1796, %get3A_1797] {strides = array<i32>} : memref<200x16xf32, #tpu.memory_space<vmem>>, vector<1x16xf32>,
      %get3A_1799 = vector.shape_cast %get3A_1798 : vector<1x16xf32> to vector<16xf32>
      %add3A_1800 = arith.addf %add3A_1776, %get3A_1799 : vector<16xf32>
      %get3A_1801 = arith.constant 196 : i32
      %get3A_1802 = arith.index_cast %get3A_1801 : i32 to index
      %get3A_1803 = arith.constant 0 : index
      %get3A_1804 = tpu.vector_load %arg10[%get3A_1802, %get3A_1803] {strides = array<i32>} : memref<200x16xf32, #tpu.memory_space<vmem>>, vector<1x16xf32>,
      %get3A_1805 = vector.shape_cast %get3A_1804 : vector<1x16xf32> to vector<16xf32>
      %add3A_1806 = arith.addf %add3A_1782, %get3A_1805 : vector<16xf32>
      %get3A_1807 = arith.constant 197 : i32
      %get3A_1808 = arith.index_cast %get3A_1807 : i32 to index
      %get3A_1809 = arith.constant 0 : index
      %get3A_1810 = tpu.vector_load %arg10[%get3A_1808, %get3A_1809] {strides = array<i32>} : memref<200x16xf32, #tpu.memory_space<vmem>>, vector<1x16xf32>,
      %get3A_1811 = vector.shape_cast %get3A_1810 : vector<1x16xf32> to vector<16xf32>
      %add3A_1812 = arith.addf %add3A_1788, %get3A_1811 : vector<16xf32>
      %get3A_1813 = arith.constant 198 : i32
      %get3A_1814 = arith.index_cast %get3A_1813 : i32 to index
      %get3A_1815 = arith.constant 0 : index
      %get3A_1816 = tpu.vector_load %arg10[%get3A_1814, %get3A_1815] {strides = array<i32>} : memref<200x16xf32, #tpu.memory_space<vmem>>, vector<1x16xf32>,
      %get3A_1817 = vector.shape_cast %get3A_1816 : vector<1x16xf32> to vector<16xf32>
      %add3A_1818 = arith.addf %add3A_1794, %get3A_1817 : vector<16xf32>
      %get3A_1819 = arith.constant 199 : i32
      %get3A_1820 = arith.index_cast %get3A_1819 : i32 to index
      %get3A_1821 = arith.constant 0 : index
      %get3A_1822 = tpu.vector_load %arg10[%get3A_1820, %get3A_1821] {strides = array<i32>} : memref<200x16xf32, #tpu.memory_space<vmem>>, vector<1x16xf32>,
      %get3A_1823 = vector.shape_cast %get3A_1822 : vector<1x16xf32> to vector<16xf32>
      %add3A_1824 = arith.addf %add3A_1800, %get3A_1823 : vector<16xf32>
      %add3A_1825 = arith.addf %add3A_1806, %add3A_1812 : vector<16xf32>
      %add3A_1826 = arith.addf %add3A_1818, %add3A_1824 : vector<16xf32>
      %add3A_1827 = arith.addf %add3A_1825, %add3A_1826 : vector<16xf32>
      %mul3A_1828 = arith.constant 48 : i32
      %mul3A_1829 = arith.muli %scan3A_596, %mul3A_1828 : i32
      %multiple_of3A_1830 = tpu.assume_multiple %mul3A_1829, 16 : i32
      %swap3A_1831 = arith.index_cast %multiple_of3A_1830 : i32 to index
      %swap3A_1832 = tpu.vector_load %arg11[%swap3A_1831] {strides = array<i32>} : memref<1536xf32, #tpu.memory_space<vmem>>, vector<16xf32>,
      %swap3A_1833 = vector.shape_cast %swap3A_1832 : vector<16xf32> to vector<16xf32>
      %swap3A_1834 = vector.shape_cast %add3A_1827 : vector<16xf32> to vector<16xf32>
      tpu.vector_store %arg11[%swap3A_1831], %swap3A_1834 {strides = array<i32>} : memref<1536xf32, #tpu.memory_space<vmem>>, vector<16xf32>,
    }
    %scan3A_14 = arith.constant 32 : i32
    %dma_wait3A = arith.constant 0 : i32
    %dma_wait3A_15 = arith.constant 0 : i32
    %dma_wait3A_16 = tpu.memref_slice %arg6[%dma_wait3A, %dma_wait3A_15] : memref<1000x16xf32, #tpu.memory_space<hbm>> -> memref<1000x16xf32, #tpu.memory_space<hbm>>
    tpu.wait_indirect_dma semaphore(%arg16 : memref<!tpu.dma_semaphore, #tpu.memory_space<semaphore_mem>>) src(%dma_wait3A_16 : memref<1000x16xf32, #tpu.memory_space<hbm>>) dst(%arg14 : memref<32x16xf32, #tpu.memory_space<vmem>>)
    %dma_wait3A_17 = arith.constant 0 : i32
    %dma_wait3A_18 = arith.constant 0 : i32
    %dma_wait3A_19 = tpu.memref_slice %arg7[%dma_wait3A_17, %dma_wait3A_18] : memref<1000x16xf32, #tpu.memory_space<hbm>> -> memref<1000x16xf32, #tpu.memory_space<hbm>>
    tpu.wait_indirect_dma semaphore(%arg16 : memref<!tpu.dma_semaphore, #tpu.memory_space<semaphore_mem>>) src(%dma_wait3A_19 : memref<1000x16xf32, #tpu.memory_space<hbm>>) dst(%arg15 : memref<32x16xf32, #tpu.memory_space<vmem>>)
    %get3A = arith.constant 0 : i32
    %get3A_20 = arith.index_cast %get3A : i32 to index
    %get3A_21 = arith.constant 0 : index
    %get3A_22 = tpu.vector_load %arg14[%get3A_20, %get3A_21] {strides = array<i32>} : memref<32x16xf32, #tpu.memory_space<vmem>>, vector<1x16xf32>,
    %get3A_23 = vector.shape_cast %get3A_22 : vector<1x16xf32> to vector<16xf32>
    %swap3A = arith.constant 16 : index
    %swap3A_24 = tpu.vector_load %arg11[%swap3A] {strides = array<i32>} : memref<1536xf32, #tpu.memory_space<vmem>>, vector<16xf32>,
    %swap3A_25 = vector.shape_cast %swap3A_24 : vector<16xf32> to vector<16xf32>
    %swap3A_26 = vector.shape_cast %get3A_23 : vector<16xf32> to vector<16xf32>
    tpu.vector_store %arg11[%swap3A], %swap3A_26 {strides = array<i32>} : memref<1536xf32, #tpu.memory_space<vmem>>, vector<16xf32>,
    %get3A_27 = arith.constant 0 : i32
    %get3A_28 = arith.index_cast %get3A_27 : i32 to index
    %get3A_29 = arith.constant 0 : index
    %get3A_30 = tpu.vector_load %arg15[%get3A_28, %get3A_29] {strides = array<i32>} : memref<32x16xf32, #tpu.memory_space<vmem>>, vector<1x16xf32>,
    %get3A_31 = vector.shape_cast %get3A_30 : vector<1x16xf32> to vector<16xf32>
    %swap3A_32 = arith.constant 32 : index
    %swap3A_33 = tpu.vector_load %arg11[%swap3A_32] {strides = array<i32>} : memref<1536xf32, #tpu.memory_space<vmem>>, vector<16xf32>,
    %swap3A_34 = vector.shape_cast %swap3A_33 : vector<16xf32> to vector<16xf32>
    %swap3A_35 = vector.shape_cast %get3A_31 : vector<16xf32> to vector<16xf32>
    tpu.vector_store %arg11[%swap3A_32], %swap3A_35 {strides = array<i32>} : memref<1536xf32, #tpu.memory_space<vmem>>, vector<16xf32>,
    %get3A_36 = arith.constant 1 : i32
    %get3A_37 = arith.index_cast %get3A_36 : i32 to index
    %get3A_38 = arith.constant 0 : index
    %get3A_39 = tpu.vector_load %arg14[%get3A_37, %get3A_38] {strides = array<i32>} : memref<32x16xf32, #tpu.memory_space<vmem>>, vector<1x16xf32>,
    %get3A_40 = vector.shape_cast %get3A_39 : vector<1x16xf32> to vector<16xf32>
    %swap3A_41 = arith.constant 64 : index
    %swap3A_42 = tpu.vector_load %arg11[%swap3A_41] {strides = array<i32>} : memref<1536xf32, #tpu.memory_space<vmem>>, vector<16xf32>,
    %swap3A_43 = vector.shape_cast %swap3A_42 : vector<16xf32> to vector<16xf32>
    %swap3A_44 = vector.shape_cast %get3A_40 : vector<16xf32> to vector<16xf32>
    tpu.vector_store %arg11[%swap3A_41], %swap3A_44 {strides = array<i32>} : memref<1536xf32, #tpu.memory_space<vmem>>, vector<16xf32>,
    %get3A_45 = arith.constant 1 : i32
    %get3A_46 = arith.index_cast %get3A_45 : i32 to index
    %get3A_47 = arith.constant 0 : index
    %get3A_48 = tpu.vector_load %arg15[%get3A_46, %get3A_47] {strides = array<i32>} : memref<32x16xf32, #tpu.memory_space<vmem>>, vector<1x16xf32>,
    %get3A_49 = vector.shape_cast %get3A_48 : vector<1x16xf32> to vector<16xf32>
    %swap3A_50 = arith.constant 80 : index
    %swap3A_51 = tpu.vector_load %arg11[%swap3A_50] {strides = array<i32>} : memref<1536xf32, #tpu.memory_space<vmem>>, vector<16xf32>,
    %swap3A_52 = vector.shape_cast %swap3A_51 : vector<16xf32> to vector<16xf32>
    %swap3A_53 = vector.shape_cast %get3A_49 : vector<16xf32> to vector<16xf32>
    tpu.vector_store %arg11[%swap3A_50], %swap3A_53 {strides = array<i32>} : memref<1536xf32, #tpu.memory_space<vmem>>, vector<16xf32>,
    %get3A_54 = arith.constant 2 : i32
    %get3A_55 = arith.index_cast %get3A_54 : i32 to index
    %get3A_56 = arith.constant 0 : index
    %get3A_57 = tpu.vector_load %arg14[%get3A_55, %get3A_56] {strides = array<i32>} : memref<32x16xf32, #tpu.memory_space<vmem>>, vector<1x16xf32>,
    %get3A_58 = vector.shape_cast %get3A_57 : vector<1x16xf32> to vector<16xf32>
    %swap3A_59 = arith.constant 112 : index
    %swap3A_60 = tpu.vector_load %arg11[%swap3A_59] {strides = array<i32>} : memref<1536xf32, #tpu.memory_space<vmem>>, vector<16xf32>,
    %swap3A_61 = vector.shape_cast %swap3A_60 : vector<16xf32> to vector<16xf32>
    %swap3A_62 = vector.shape_cast %get3A_58 : vector<16xf32> to vector<16xf32>
    tpu.vector_store %arg11[%swap3A_59], %swap3A_62 {strides = array<i32>} : memref<1536xf32, #tpu.memory_space<vmem>>, vector<16xf32>,
    %get3A_63 = arith.constant 2 : i32
    %get3A_64 = arith.index_cast %get3A_63 : i32 to index
    %get3A_65 = arith.constant 0 : index
    %get3A_66 = tpu.vector_load %arg15[%get3A_64, %get3A_65] {strides = array<i32>} : memref<32x16xf32, #tpu.memory_space<vmem>>, vector<1x16xf32>,
    %get3A_67 = vector.shape_cast %get3A_66 : vector<1x16xf32> to vector<16xf32>
    %swap3A_68 = arith.constant 128 : index
    %swap3A_69 = tpu.vector_load %arg11[%swap3A_68] {strides = array<i32>} : memref<1536xf32, #tpu.memory_space<vmem>>, vector<16xf32>,
    %swap3A_70 = vector.shape_cast %swap3A_69 : vector<16xf32> to vector<16xf32>
    %swap3A_71 = vector.shape_cast %get3A_67 : vector<16xf32> to vector<16xf32>
    tpu.vector_store %arg11[%swap3A_68], %swap3A_71 {strides = array<i32>} : memref<1536xf32, #tpu.memory_space<vmem>>, vector<16xf32>,
    %get3A_72 = arith.constant 3 : i32
    %get3A_73 = arith.index_cast %get3A_72 : i32 to index
    %get3A_74 = arith.constant 0 : index
    %get3A_75 = tpu.vector_load %arg14[%get3A_73, %get3A_74] {strides = array<i32>} : memref<32x16xf32, #tpu.memory_space<vmem>>, vector<1x16xf32>,
    %get3A_76 = vector.shape_cast %get3A_75 : vector<1x16xf32> to vector<16xf32>
    %swap3A_77 = arith.constant 160 : index
    %swap3A_78 = tpu.vector_load %arg11[%swap3A_77] {strides = array<i32>} : memref<1536xf32, #tpu.memory_space<vmem>>, vector<16xf32>,
    %swap3A_79 = vector.shape_cast %swap3A_78 : vector<16xf32> to vector<16xf32>
    %swap3A_80 = vector.shape_cast %get3A_76 : vector<16xf32> to vector<16xf32>
    tpu.vector_store %arg11[%swap3A_77], %swap3A_80 {strides = array<i32>} : memref<1536xf32, #tpu.memory_space<vmem>>, vector<16xf32>,
    %get3A_81 = arith.constant 3 : i32
    %get3A_82 = arith.index_cast %get3A_81 : i32 to index
    %get3A_83 = arith.constant 0 : index
    %get3A_84 = tpu.vector_load %arg15[%get3A_82, %get3A_83] {strides = array<i32>} : memref<32x16xf32, #tpu.memory_space<vmem>>, vector<1x16xf32>,
    %get3A_85 = vector.shape_cast %get3A_84 : vector<1x16xf32> to vector<16xf32>
    %swap3A_86 = arith.constant 176 : index
    %swap3A_87 = tpu.vector_load %arg11[%swap3A_86] {strides = array<i32>} : memref<1536xf32, #tpu.memory_space<vmem>>, vector<16xf32>,
    %swap3A_88 = vector.shape_cast %swap3A_87 : vector<16xf32> to vector<16xf32>
    %swap3A_89 = vector.shape_cast %get3A_85 : vector<16xf32> to vector<16xf32>
    tpu.vector_store %arg11[%swap3A_86], %swap3A_89 {strides = array<i32>} : memref<1536xf32, #tpu.memory_space<vmem>>, vector<16xf32>,
    %get3A_90 = arith.constant 4 : i32
    %get3A_91 = arith.index_cast %get3A_90 : i32 to index
    %get3A_92 = arith.constant 0 : index
    %get3A_93 = tpu.vector_load %arg14[%get3A_91, %get3A_92] {strides = array<i32>} : memref<32x16xf32, #tpu.memory_space<vmem>>, vector<1x16xf32>,
    %get3A_94 = vector.shape_cast %get3A_93 : vector<1x16xf32> to vector<16xf32>
    %swap3A_95 = arith.constant 208 : index
    %swap3A_96 = tpu.vector_load %arg11[%swap3A_95] {strides = array<i32>} : memref<1536xf32, #tpu.memory_space<vmem>>, vector<16xf32>,
    %swap3A_97 = vector.shape_cast %swap3A_96 : vector<16xf32> to vector<16xf32>
    %swap3A_98 = vector.shape_cast %get3A_94 : vector<16xf32> to vector<16xf32>
    tpu.vector_store %arg11[%swap3A_95], %swap3A_98 {strides = array<i32>} : memref<1536xf32, #tpu.memory_space<vmem>>, vector<16xf32>,
    %get3A_99 = arith.constant 4 : i32
    %get3A_100 = arith.index_cast %get3A_99 : i32 to index
    %get3A_101 = arith.constant 0 : index
    %get3A_102 = tpu.vector_load %arg15[%get3A_100, %get3A_101] {strides = array<i32>} : memref<32x16xf32, #tpu.memory_space<vmem>>, vector<1x16xf32>,
    %get3A_103 = vector.shape_cast %get3A_102 : vector<1x16xf32> to vector<16xf32>
    %swap3A_104 = arith.constant 224 : index
    %swap3A_105 = tpu.vector_load %arg11[%swap3A_104] {strides = array<i32>} : memref<1536xf32, #tpu.memory_space<vmem>>, vector<16xf32>,
    %swap3A_106 = vector.shape_cast %swap3A_105 : vector<16xf32> to vector<16xf32>
    %swap3A_107 = vector.shape_cast %get3A_103 : vector<16xf32> to vector<16xf32>
    tpu.vector_store %arg11[%swap3A_104], %swap3A_107 {strides = array<i32>} : memref<1536xf32, #tpu.memory_space<vmem>>, vector<16xf32>,
    %get3A_108 = arith.constant 5 : i32
    %get3A_109 = arith.index_cast %get3A_108 : i32 to index
    %get3A_110 = arith.constant 0 : index
    %get3A_111 = tpu.vector_load %arg14[%get3A_109, %get3A_110] {strides = array<i32>} : memref<32x16xf32, #tpu.memory_space<vmem>>, vector<1x16xf32>,
    %get3A_112 = vector.shape_cast %get3A_111 : vector<1x16xf32> to vector<16xf32>
    %swap3A_113 = arith.constant 256 : index
    %swap3A_114 = tpu.vector_load %arg11[%swap3A_113] {strides = array<i32>} : memref<1536xf32, #tpu.memory_space<vmem>>, vector<16xf32>,
    %swap3A_115 = vector.shape_cast %swap3A_114 : vector<16xf32> to vector<16xf32>
    %swap3A_116 = vector.shape_cast %get3A_112 : vector<16xf32> to vector<16xf32>
    tpu.vector_store %arg11[%swap3A_113], %swap3A_116 {strides = array<i32>} : memref<1536xf32, #tpu.memory_space<vmem>>, vector<16xf32>,
    %get3A_117 = arith.constant 5 : i32
    %get3A_118 = arith.index_cast %get3A_117 : i32 to index
    %get3A_119 = arith.constant 0 : index
    %get3A_120 = tpu.vector_load %arg15[%get3A_118, %get3A_119] {strides = array<i32>} : memref<32x16xf32, #tpu.memory_space<vmem>>, vector<1x16xf32>,
    %get3A_121 = vector.shape_cast %get3A_120 : vector<1x16xf32> to vector<16xf32>
    %swap3A_122 = arith.constant 272 : index
    %swap3A_123 = tpu.vector_load %arg11[%swap3A_122] {strides = array<i32>} : memref<1536xf32, #tpu.memory_space<vmem>>, vector<16xf32>,
    %swap3A_124 = vector.shape_cast %swap3A_123 : vector<16xf32> to vector<16xf32>
    %swap3A_125 = vector.shape_cast %get3A_121 : vector<16xf32> to vector<16xf32>
    tpu.vector_store %arg11[%swap3A_122], %swap3A_125 {strides = array<i32>} : memref<1536xf32, #tpu.memory_space<vmem>>, vector<16xf32>,
    %get3A_126 = arith.constant 6 : i32
    %get3A_127 = arith.index_cast %get3A_126 : i32 to index
    %get3A_128 = arith.constant 0 : index
    %get3A_129 = tpu.vector_load %arg14[%get3A_127, %get3A_128] {strides = array<i32>} : memref<32x16xf32, #tpu.memory_space<vmem>>, vector<1x16xf32>,
    %get3A_130 = vector.shape_cast %get3A_129 : vector<1x16xf32> to vector<16xf32>
    %swap3A_131 = arith.constant 304 : index
    %swap3A_132 = tpu.vector_load %arg11[%swap3A_131] {strides = array<i32>} : memref<1536xf32, #tpu.memory_space<vmem>>, vector<16xf32>,
    %swap3A_133 = vector.shape_cast %swap3A_132 : vector<16xf32> to vector<16xf32>
    %swap3A_134 = vector.shape_cast %get3A_130 : vector<16xf32> to vector<16xf32>
    tpu.vector_store %arg11[%swap3A_131], %swap3A_134 {strides = array<i32>} : memref<1536xf32, #tpu.memory_space<vmem>>, vector<16xf32>,
    %get3A_135 = arith.constant 6 : i32
    %get3A_136 = arith.index_cast %get3A_135 : i32 to index
    %get3A_137 = arith.constant 0 : index
    %get3A_138 = tpu.vector_load %arg15[%get3A_136, %get3A_137] {strides = array<i32>} : memref<32x16xf32, #tpu.memory_space<vmem>>, vector<1x16xf32>,
    %get3A_139 = vector.shape_cast %get3A_138 : vector<1x16xf32> to vector<16xf32>
    %swap3A_140 = arith.constant 320 : index
    %swap3A_141 = tpu.vector_load %arg11[%swap3A_140] {strides = array<i32>} : memref<1536xf32, #tpu.memory_space<vmem>>, vector<16xf32>,
    %swap3A_142 = vector.shape_cast %swap3A_141 : vector<16xf32> to vector<16xf32>
    %swap3A_143 = vector.shape_cast %get3A_139 : vector<16xf32> to vector<16xf32>
    tpu.vector_store %arg11[%swap3A_140], %swap3A_143 {strides = array<i32>} : memref<1536xf32, #tpu.memory_space<vmem>>, vector<16xf32>,
    %get3A_144 = arith.constant 7 : i32
    %get3A_145 = arith.index_cast %get3A_144 : i32 to index
    %get3A_146 = arith.constant 0 : index
    %get3A_147 = tpu.vector_load %arg14[%get3A_145, %get3A_146] {strides = array<i32>} : memref<32x16xf32, #tpu.memory_space<vmem>>, vector<1x16xf32>,
    %get3A_148 = vector.shape_cast %get3A_147 : vector<1x16xf32> to vector<16xf32>
    %swap3A_149 = arith.constant 352 : index
    %swap3A_150 = tpu.vector_load %arg11[%swap3A_149] {strides = array<i32>} : memref<1536xf32, #tpu.memory_space<vmem>>, vector<16xf32>,
    %swap3A_151 = vector.shape_cast %swap3A_150 : vector<16xf32> to vector<16xf32>
    %swap3A_152 = vector.shape_cast %get3A_148 : vector<16xf32> to vector<16xf32>
    tpu.vector_store %arg11[%swap3A_149], %swap3A_152 {strides = array<i32>} : memref<1536xf32, #tpu.memory_space<vmem>>, vector<16xf32>,
    %get3A_153 = arith.constant 7 : i32
    %get3A_154 = arith.index_cast %get3A_153 : i32 to index
    %get3A_155 = arith.constant 0 : index
    %get3A_156 = tpu.vector_load %arg15[%get3A_154, %get3A_155] {strides = array<i32>} : memref<32x16xf32, #tpu.memory_space<vmem>>, vector<1x16xf32>,
    %get3A_157 = vector.shape_cast %get3A_156 : vector<1x16xf32> to vector<16xf32>
    %swap3A_158 = arith.constant 368 : index
    %swap3A_159 = tpu.vector_load %arg11[%swap3A_158] {strides = array<i32>} : memref<1536xf32, #tpu.memory_space<vmem>>, vector<16xf32>,
    %swap3A_160 = vector.shape_cast %swap3A_159 : vector<16xf32> to vector<16xf32>
    %swap3A_161 = vector.shape_cast %get3A_157 : vector<16xf32> to vector<16xf32>
    tpu.vector_store %arg11[%swap3A_158], %swap3A_161 {strides = array<i32>} : memref<1536xf32, #tpu.memory_space<vmem>>, vector<16xf32>,
    %get3A_162 = arith.constant 8 : i32
    %get3A_163 = arith.index_cast %get3A_162 : i32 to index
    %get3A_164 = arith.constant 0 : index
    %get3A_165 = tpu.vector_load %arg14[%get3A_163, %get3A_164] {strides = array<i32>} : memref<32x16xf32, #tpu.memory_space<vmem>>, vector<1x16xf32>,
    %get3A_166 = vector.shape_cast %get3A_165 : vector<1x16xf32> to vector<16xf32>
    %swap3A_167 = arith.constant 400 : index
    %swap3A_168 = tpu.vector_load %arg11[%swap3A_167] {strides = array<i32>} : memref<1536xf32, #tpu.memory_space<vmem>>, vector<16xf32>,
    %swap3A_169 = vector.shape_cast %swap3A_168 : vector<16xf32> to vector<16xf32>
    %swap3A_170 = vector.shape_cast %get3A_166 : vector<16xf32> to vector<16xf32>
    tpu.vector_store %arg11[%swap3A_167], %swap3A_170 {strides = array<i32>} : memref<1536xf32, #tpu.memory_space<vmem>>, vector<16xf32>,
    %get3A_171 = arith.constant 8 : i32
    %get3A_172 = arith.index_cast %get3A_171 : i32 to index
    %get3A_173 = arith.constant 0 : index
    %get3A_174 = tpu.vector_load %arg15[%get3A_172, %get3A_173] {strides = array<i32>} : memref<32x16xf32, #tpu.memory_space<vmem>>, vector<1x16xf32>,
    %get3A_175 = vector.shape_cast %get3A_174 : vector<1x16xf32> to vector<16xf32>
    %swap3A_176 = arith.constant 416 : index
    %swap3A_177 = tpu.vector_load %arg11[%swap3A_176] {strides = array<i32>} : memref<1536xf32, #tpu.memory_space<vmem>>, vector<16xf32>,
    %swap3A_178 = vector.shape_cast %swap3A_177 : vector<16xf32> to vector<16xf32>
    %swap3A_179 = vector.shape_cast %get3A_175 : vector<16xf32> to vector<16xf32>
    tpu.vector_store %arg11[%swap3A_176], %swap3A_179 {strides = array<i32>} : memref<1536xf32, #tpu.memory_space<vmem>>, vector<16xf32>,
    %get3A_180 = arith.constant 9 : i32
    %get3A_181 = arith.index_cast %get3A_180 : i32 to index
    %get3A_182 = arith.constant 0 : index
    %get3A_183 = tpu.vector_load %arg14[%get3A_181, %get3A_182] {strides = array<i32>} : memref<32x16xf32, #tpu.memory_space<vmem>>, vector<1x16xf32>,
    %get3A_184 = vector.shape_cast %get3A_183 : vector<1x16xf32> to vector<16xf32>
    %swap3A_185 = arith.constant 448 : index
    %swap3A_186 = tpu.vector_load %arg11[%swap3A_185] {strides = array<i32>} : memref<1536xf32, #tpu.memory_space<vmem>>, vector<16xf32>,
    %swap3A_187 = vector.shape_cast %swap3A_186 : vector<16xf32> to vector<16xf32>
    %swap3A_188 = vector.shape_cast %get3A_184 : vector<16xf32> to vector<16xf32>
    tpu.vector_store %arg11[%swap3A_185], %swap3A_188 {strides = array<i32>} : memref<1536xf32, #tpu.memory_space<vmem>>, vector<16xf32>,
    %get3A_189 = arith.constant 9 : i32
    %get3A_190 = arith.index_cast %get3A_189 : i32 to index
    %get3A_191 = arith.constant 0 : index
    %get3A_192 = tpu.vector_load %arg15[%get3A_190, %get3A_191] {strides = array<i32>} : memref<32x16xf32, #tpu.memory_space<vmem>>, vector<1x16xf32>,
    %get3A_193 = vector.shape_cast %get3A_192 : vector<1x16xf32> to vector<16xf32>
    %swap3A_194 = arith.constant 464 : index
    %swap3A_195 = tpu.vector_load %arg11[%swap3A_194] {strides = array<i32>} : memref<1536xf32, #tpu.memory_space<vmem>>, vector<16xf32>,
    %swap3A_196 = vector.shape_cast %swap3A_195 : vector<16xf32> to vector<16xf32>
    %swap3A_197 = vector.shape_cast %get3A_193 : vector<16xf32> to vector<16xf32>
    tpu.vector_store %arg11[%swap3A_194], %swap3A_197 {strides = array<i32>} : memref<1536xf32, #tpu.memory_space<vmem>>, vector<16xf32>,
    %get3A_198 = arith.constant 10 : i32
    %get3A_199 = arith.index_cast %get3A_198 : i32 to index
    %get3A_200 = arith.constant 0 : index
    %get3A_201 = tpu.vector_load %arg14[%get3A_199, %get3A_200] {strides = array<i32>} : memref<32x16xf32, #tpu.memory_space<vmem>>, vector<1x16xf32>,
    %get3A_202 = vector.shape_cast %get3A_201 : vector<1x16xf32> to vector<16xf32>
    %swap3A_203 = arith.constant 496 : index
    %swap3A_204 = tpu.vector_load %arg11[%swap3A_203] {strides = array<i32>} : memref<1536xf32, #tpu.memory_space<vmem>>, vector<16xf32>,
    %swap3A_205 = vector.shape_cast %swap3A_204 : vector<16xf32> to vector<16xf32>
    %swap3A_206 = vector.shape_cast %get3A_202 : vector<16xf32> to vector<16xf32>
    tpu.vector_store %arg11[%swap3A_203], %swap3A_206 {strides = array<i32>} : memref<1536xf32, #tpu.memory_space<vmem>>, vector<16xf32>,
    %get3A_207 = arith.constant 10 : i32
    %get3A_208 = arith.index_cast %get3A_207 : i32 to index
    %get3A_209 = arith.constant 0 : index
    %get3A_210 = tpu.vector_load %arg15[%get3A_208, %get3A_209] {strides = array<i32>} : memref<32x16xf32, #tpu.memory_space<vmem>>, vector<1x16xf32>,
    %get3A_211 = vector.shape_cast %get3A_210 : vector<1x16xf32> to vector<16xf32>
    %swap3A_212 = arith.constant 512 : index
    %swap3A_213 = tpu.vector_load %arg11[%swap3A_212] {strides = array<i32>} : memref<1536xf32, #tpu.memory_space<vmem>>, vector<16xf32>,
    %swap3A_214 = vector.shape_cast %swap3A_213 : vector<16xf32> to vector<16xf32>
    %swap3A_215 = vector.shape_cast %get3A_211 : vector<16xf32> to vector<16xf32>
    tpu.vector_store %arg11[%swap3A_212], %swap3A_215 {strides = array<i32>} : memref<1536xf32, #tpu.memory_space<vmem>>, vector<16xf32>,
    %get3A_216 = arith.constant 11 : i32
    %get3A_217 = arith.index_cast %get3A_216 : i32 to index
    %get3A_218 = arith.constant 0 : index
    %get3A_219 = tpu.vector_load %arg14[%get3A_217, %get3A_218] {strides = array<i32>} : memref<32x16xf32, #tpu.memory_space<vmem>>, vector<1x16xf32>,
    %get3A_220 = vector.shape_cast %get3A_219 : vector<1x16xf32> to vector<16xf32>
    %swap3A_221 = arith.constant 544 : index
    %swap3A_222 = tpu.vector_load %arg11[%swap3A_221] {strides = array<i32>} : memref<1536xf32, #tpu.memory_space<vmem>>, vector<16xf32>,
    %swap3A_223 = vector.shape_cast %swap3A_222 : vector<16xf32> to vector<16xf32>
    %swap3A_224 = vector.shape_cast %get3A_220 : vector<16xf32> to vector<16xf32>
    tpu.vector_store %arg11[%swap3A_221], %swap3A_224 {strides = array<i32>} : memref<1536xf32, #tpu.memory_space<vmem>>, vector<16xf32>,
    %get3A_225 = arith.constant 11 : i32
    %get3A_226 = arith.index_cast %get3A_225 : i32 to index
    %get3A_227 = arith.constant 0 : index
    %get3A_228 = tpu.vector_load %arg15[%get3A_226, %get3A_227] {strides = array<i32>} : memref<32x16xf32, #tpu.memory_space<vmem>>, vector<1x16xf32>,
    %get3A_229 = vector.shape_cast %get3A_228 : vector<1x16xf32> to vector<16xf32>
    %swap3A_230 = arith.constant 560 : index
    %swap3A_231 = tpu.vector_load %arg11[%swap3A_230] {strides = array<i32>} : memref<1536xf32, #tpu.memory_space<vmem>>, vector<16xf32>,
    %swap3A_232 = vector.shape_cast %swap3A_231 : vector<16xf32> to vector<16xf32>
    %swap3A_233 = vector.shape_cast %get3A_229 : vector<16xf32> to vector<16xf32>
    tpu.vector_store %arg11[%swap3A_230], %swap3A_233 {strides = array<i32>} : memref<1536xf32, #tpu.memory_space<vmem>>, vector<16xf32>,
    %get3A_234 = arith.constant 12 : i32
    %get3A_235 = arith.index_cast %get3A_234 : i32 to index
    %get3A_236 = arith.constant 0 : index
    %get3A_237 = tpu.vector_load %arg14[%get3A_235, %get3A_236] {strides = array<i32>} : memref<32x16xf32, #tpu.memory_space<vmem>>, vector<1x16xf32>,
    %get3A_238 = vector.shape_cast %get3A_237 : vector<1x16xf32> to vector<16xf32>
    %swap3A_239 = arith.constant 592 : index
    %swap3A_240 = tpu.vector_load %arg11[%swap3A_239] {strides = array<i32>} : memref<1536xf32, #tpu.memory_space<vmem>>, vector<16xf32>,
    %swap3A_241 = vector.shape_cast %swap3A_240 : vector<16xf32> to vector<16xf32>
    %swap3A_242 = vector.shape_cast %get3A_238 : vector<16xf32> to vector<16xf32>
    tpu.vector_store %arg11[%swap3A_239], %swap3A_242 {strides = array<i32>} : memref<1536xf32, #tpu.memory_space<vmem>>, vector<16xf32>,
    %get3A_243 = arith.constant 12 : i32
    %get3A_244 = arith.index_cast %get3A_243 : i32 to index
    %get3A_245 = arith.constant 0 : index
    %get3A_246 = tpu.vector_load %arg15[%get3A_244, %get3A_245] {strides = array<i32>} : memref<32x16xf32, #tpu.memory_space<vmem>>, vector<1x16xf32>,
    %get3A_247 = vector.shape_cast %get3A_246 : vector<1x16xf32> to vector<16xf32>
    %swap3A_248 = arith.constant 608 : index
    %swap3A_249 = tpu.vector_load %arg11[%swap3A_248] {strides = array<i32>} : memref<1536xf32, #tpu.memory_space<vmem>>, vector<16xf32>,
    %swap3A_250 = vector.shape_cast %swap3A_249 : vector<16xf32> to vector<16xf32>
    %swap3A_251 = vector.shape_cast %get3A_247 : vector<16xf32> to vector<16xf32>
    tpu.vector_store %arg11[%swap3A_248], %swap3A_251 {strides = array<i32>} : memref<1536xf32, #tpu.memory_space<vmem>>, vector<16xf32>,
    %get3A_252 = arith.constant 13 : i32
    %get3A_253 = arith.index_cast %get3A_252 : i32 to index
    %get3A_254 = arith.constant 0 : index
    %get3A_255 = tpu.vector_load %arg14[%get3A_253, %get3A_254] {strides = array<i32>} : memref<32x16xf32, #tpu.memory_space<vmem>>, vector<1x16xf32>,
    %get3A_256 = vector.shape_cast %get3A_255 : vector<1x16xf32> to vector<16xf32>
    %swap3A_257 = arith.constant 640 : index
    %swap3A_258 = tpu.vector_load %arg11[%swap3A_257] {strides = array<i32>} : memref<1536xf32, #tpu.memory_space<vmem>>, vector<16xf32>,
    %swap3A_259 = vector.shape_cast %swap3A_258 : vector<16xf32> to vector<16xf32>
    %swap3A_260 = vector.shape_cast %get3A_256 : vector<16xf32> to vector<16xf32>
    tpu.vector_store %arg11[%swap3A_257], %swap3A_260 {strides = array<i32>} : memref<1536xf32, #tpu.memory_space<vmem>>, vector<16xf32>,
    %get3A_261 = arith.constant 13 : i32
    %get3A_262 = arith.index_cast %get3A_261 : i32 to index
    %get3A_263 = arith.constant 0 : index
    %get3A_264 = tpu.vector_load %arg15[%get3A_262, %get3A_263] {strides = array<i32>} : memref<32x16xf32, #tpu.memory_space<vmem>>, vector<1x16xf32>,
    %get3A_265 = vector.shape_cast %get3A_264 : vector<1x16xf32> to vector<16xf32>
    %swap3A_266 = arith.constant 656 : index
    %swap3A_267 = tpu.vector_load %arg11[%swap3A_266] {strides = array<i32>} : memref<1536xf32, #tpu.memory_space<vmem>>, vector<16xf32>,
    %swap3A_268 = vector.shape_cast %swap3A_267 : vector<16xf32> to vector<16xf32>
    %swap3A_269 = vector.shape_cast %get3A_265 : vector<16xf32> to vector<16xf32>
    tpu.vector_store %arg11[%swap3A_266], %swap3A_269 {strides = array<i32>} : memref<1536xf32, #tpu.memory_space<vmem>>, vector<16xf32>,
    %get3A_270 = arith.constant 14 : i32
    %get3A_271 = arith.index_cast %get3A_270 : i32 to index
    %get3A_272 = arith.constant 0 : index
    %get3A_273 = tpu.vector_load %arg14[%get3A_271, %get3A_272] {strides = array<i32>} : memref<32x16xf32, #tpu.memory_space<vmem>>, vector<1x16xf32>,
    %get3A_274 = vector.shape_cast %get3A_273 : vector<1x16xf32> to vector<16xf32>
    %swap3A_275 = arith.constant 688 : index
    %swap3A_276 = tpu.vector_load %arg11[%swap3A_275] {strides = array<i32>} : memref<1536xf32, #tpu.memory_space<vmem>>, vector<16xf32>,
    %swap3A_277 = vector.shape_cast %swap3A_276 : vector<16xf32> to vector<16xf32>
    %swap3A_278 = vector.shape_cast %get3A_274 : vector<16xf32> to vector<16xf32>
    tpu.vector_store %arg11[%swap3A_275], %swap3A_278 {strides = array<i32>} : memref<1536xf32, #tpu.memory_space<vmem>>, vector<16xf32>,
    %get3A_279 = arith.constant 14 : i32
    %get3A_280 = arith.index_cast %get3A_279 : i32 to index
    %get3A_281 = arith.constant 0 : index
    %get3A_282 = tpu.vector_load %arg15[%get3A_280, %get3A_281] {strides = array<i32>} : memref<32x16xf32, #tpu.memory_space<vmem>>, vector<1x16xf32>,
    %get3A_283 = vector.shape_cast %get3A_282 : vector<1x16xf32> to vector<16xf32>
    %swap3A_284 = arith.constant 704 : index
    %swap3A_285 = tpu.vector_load %arg11[%swap3A_284] {strides = array<i32>} : memref<1536xf32, #tpu.memory_space<vmem>>, vector<16xf32>,
    %swap3A_286 = vector.shape_cast %swap3A_285 : vector<16xf32> to vector<16xf32>
    %swap3A_287 = vector.shape_cast %get3A_283 : vector<16xf32> to vector<16xf32>
    tpu.vector_store %arg11[%swap3A_284], %swap3A_287 {strides = array<i32>} : memref<1536xf32, #tpu.memory_space<vmem>>, vector<16xf32>,
    %get3A_288 = arith.constant 15 : i32
    %get3A_289 = arith.index_cast %get3A_288 : i32 to index
    %get3A_290 = arith.constant 0 : index
    %get3A_291 = tpu.vector_load %arg14[%get3A_289, %get3A_290] {strides = array<i32>} : memref<32x16xf32, #tpu.memory_space<vmem>>, vector<1x16xf32>,
    %get3A_292 = vector.shape_cast %get3A_291 : vector<1x16xf32> to vector<16xf32>
    %swap3A_293 = arith.constant 736 : index
    %swap3A_294 = tpu.vector_load %arg11[%swap3A_293] {strides = array<i32>} : memref<1536xf32, #tpu.memory_space<vmem>>, vector<16xf32>,
    %swap3A_295 = vector.shape_cast %swap3A_294 : vector<16xf32> to vector<16xf32>
    %swap3A_296 = vector.shape_cast %get3A_292 : vector<16xf32> to vector<16xf32>
    tpu.vector_store %arg11[%swap3A_293], %swap3A_296 {strides = array<i32>} : memref<1536xf32, #tpu.memory_space<vmem>>, vector<16xf32>,
    %get3A_297 = arith.constant 15 : i32
    %get3A_298 = arith.index_cast %get3A_297 : i32 to index
    %get3A_299 = arith.constant 0 : index
    %get3A_300 = tpu.vector_load %arg15[%get3A_298, %get3A_299] {strides = array<i32>} : memref<32x16xf32, #tpu.memory_space<vmem>>, vector<1x16xf32>,
    %get3A_301 = vector.shape_cast %get3A_300 : vector<1x16xf32> to vector<16xf32>
    %swap3A_302 = arith.constant 752 : index
    %swap3A_303 = tpu.vector_load %arg11[%swap3A_302] {strides = array<i32>} : memref<1536xf32, #tpu.memory_space<vmem>>, vector<16xf32>,
    %swap3A_304 = vector.shape_cast %swap3A_303 : vector<16xf32> to vector<16xf32>
    %swap3A_305 = vector.shape_cast %get3A_301 : vector<16xf32> to vector<16xf32>
    tpu.vector_store %arg11[%swap3A_302], %swap3A_305 {strides = array<i32>} : memref<1536xf32, #tpu.memory_space<vmem>>, vector<16xf32>,
    %get3A_306 = arith.constant 16 : i32
    %get3A_307 = arith.index_cast %get3A_306 : i32 to index
    %get3A_308 = arith.constant 0 : index
    %get3A_309 = tpu.vector_load %arg14[%get3A_307, %get3A_308] {strides = array<i32>} : memref<32x16xf32, #tpu.memory_space<vmem>>, vector<1x16xf32>,
    %get3A_310 = vector.shape_cast %get3A_309 : vector<1x16xf32> to vector<16xf32>
    %swap3A_311 = arith.constant 784 : index
    %swap3A_312 = tpu.vector_load %arg11[%swap3A_311] {strides = array<i32>} : memref<1536xf32, #tpu.memory_space<vmem>>, vector<16xf32>,
    %swap3A_313 = vector.shape_cast %swap3A_312 : vector<16xf32> to vector<16xf32>
    %swap3A_314 = vector.shape_cast %get3A_310 : vector<16xf32> to vector<16xf32>
    tpu.vector_store %arg11[%swap3A_311], %swap3A_314 {strides = array<i32>} : memref<1536xf32, #tpu.memory_space<vmem>>, vector<16xf32>,
    %get3A_315 = arith.constant 16 : i32
    %get3A_316 = arith.index_cast %get3A_315 : i32 to index
    %get3A_317 = arith.constant 0 : index
    %get3A_318 = tpu.vector_load %arg15[%get3A_316, %get3A_317] {strides = array<i32>} : memref<32x16xf32, #tpu.memory_space<vmem>>, vector<1x16xf32>,
    %get3A_319 = vector.shape_cast %get3A_318 : vector<1x16xf32> to vector<16xf32>
    %swap3A_320 = arith.constant 800 : index
    %swap3A_321 = tpu.vector_load %arg11[%swap3A_320] {strides = array<i32>} : memref<1536xf32, #tpu.memory_space<vmem>>, vector<16xf32>,
    %swap3A_322 = vector.shape_cast %swap3A_321 : vector<16xf32> to vector<16xf32>
    %swap3A_323 = vector.shape_cast %get3A_319 : vector<16xf32> to vector<16xf32>
    tpu.vector_store %arg11[%swap3A_320], %swap3A_323 {strides = array<i32>} : memref<1536xf32, #tpu.memory_space<vmem>>, vector<16xf32>,
    %get3A_324 = arith.constant 17 : i32
    %get3A_325 = arith.index_cast %get3A_324 : i32 to index
    %get3A_326 = arith.constant 0 : index
    %get3A_327 = tpu.vector_load %arg14[%get3A_325, %get3A_326] {strides = array<i32>} : memref<32x16xf32, #tpu.memory_space<vmem>>, vector<1x16xf32>,
    %get3A_328 = vector.shape_cast %get3A_327 : vector<1x16xf32> to vector<16xf32>
    %swap3A_329 = arith.constant 832 : index
    %swap3A_330 = tpu.vector_load %arg11[%swap3A_329] {strides = array<i32>} : memref<1536xf32, #tpu.memory_space<vmem>>, vector<16xf32>,
    %swap3A_331 = vector.shape_cast %swap3A_330 : vector<16xf32> to vector<16xf32>
    %swap3A_332 = vector.shape_cast %get3A_328 : vector<16xf32> to vector<16xf32>
    tpu.vector_store %arg11[%swap3A_329], %swap3A_332 {strides = array<i32>} : memref<1536xf32, #tpu.memory_space<vmem>>, vector<16xf32>,
    %get3A_333 = arith.constant 17 : i32
    %get3A_334 = arith.index_cast %get3A_333 : i32 to index
    %get3A_335 = arith.constant 0 : index
    %get3A_336 = tpu.vector_load %arg15[%get3A_334, %get3A_335] {strides = array<i32>} : memref<32x16xf32, #tpu.memory_space<vmem>>, vector<1x16xf32>,
    %get3A_337 = vector.shape_cast %get3A_336 : vector<1x16xf32> to vector<16xf32>
    %swap3A_338 = arith.constant 848 : index
    %swap3A_339 = tpu.vector_load %arg11[%swap3A_338] {strides = array<i32>} : memref<1536xf32, #tpu.memory_space<vmem>>, vector<16xf32>,
    %swap3A_340 = vector.shape_cast %swap3A_339 : vector<16xf32> to vector<16xf32>
    %swap3A_341 = vector.shape_cast %get3A_337 : vector<16xf32> to vector<16xf32>
    tpu.vector_store %arg11[%swap3A_338], %swap3A_341 {strides = array<i32>} : memref<1536xf32, #tpu.memory_space<vmem>>, vector<16xf32>,
    %get3A_342 = arith.constant 18 : i32
    %get3A_343 = arith.index_cast %get3A_342 : i32 to index
    %get3A_344 = arith.constant 0 : index
    %get3A_345 = tpu.vector_load %arg14[%get3A_343, %get3A_344] {strides = array<i32>} : memref<32x16xf32, #tpu.memory_space<vmem>>, vector<1x16xf32>,
    %get3A_346 = vector.shape_cast %get3A_345 : vector<1x16xf32> to vector<16xf32>
    %swap3A_347 = arith.constant 880 : index
    %swap3A_348 = tpu.vector_load %arg11[%swap3A_347] {strides = array<i32>} : memref<1536xf32, #tpu.memory_space<vmem>>, vector<16xf32>,
    %swap3A_349 = vector.shape_cast %swap3A_348 : vector<16xf32> to vector<16xf32>
    %swap3A_350 = vector.shape_cast %get3A_346 : vector<16xf32> to vector<16xf32>
    tpu.vector_store %arg11[%swap3A_347], %swap3A_350 {strides = array<i32>} : memref<1536xf32, #tpu.memory_space<vmem>>, vector<16xf32>,
    %get3A_351 = arith.constant 18 : i32
    %get3A_352 = arith.index_cast %get3A_351 : i32 to index
    %get3A_353 = arith.constant 0 : index
    %get3A_354 = tpu.vector_load %arg15[%get3A_352, %get3A_353] {strides = array<i32>} : memref<32x16xf32, #tpu.memory_space<vmem>>, vector<1x16xf32>,
    %get3A_355 = vector.shape_cast %get3A_354 : vector<1x16xf32> to vector<16xf32>
    %swap3A_356 = arith.constant 896 : index
    %swap3A_357 = tpu.vector_load %arg11[%swap3A_356] {strides = array<i32>} : memref<1536xf32, #tpu.memory_space<vmem>>, vector<16xf32>,
    %swap3A_358 = vector.shape_cast %swap3A_357 : vector<16xf32> to vector<16xf32>
    %swap3A_359 = vector.shape_cast %get3A_355 : vector<16xf32> to vector<16xf32>
    tpu.vector_store %arg11[%swap3A_356], %swap3A_359 {strides = array<i32>} : memref<1536xf32, #tpu.memory_space<vmem>>, vector<16xf32>,
    %get3A_360 = arith.constant 19 : i32
    %get3A_361 = arith.index_cast %get3A_360 : i32 to index
    %get3A_362 = arith.constant 0 : index
    %get3A_363 = tpu.vector_load %arg14[%get3A_361, %get3A_362] {strides = array<i32>} : memref<32x16xf32, #tpu.memory_space<vmem>>, vector<1x16xf32>,
    %get3A_364 = vector.shape_cast %get3A_363 : vector<1x16xf32> to vector<16xf32>
    %swap3A_365 = arith.constant 928 : index
    %swap3A_366 = tpu.vector_load %arg11[%swap3A_365] {strides = array<i32>} : memref<1536xf32, #tpu.memory_space<vmem>>, vector<16xf32>,
    %swap3A_367 = vector.shape_cast %swap3A_366 : vector<16xf32> to vector<16xf32>
    %swap3A_368 = vector.shape_cast %get3A_364 : vector<16xf32> to vector<16xf32>
    tpu.vector_store %arg11[%swap3A_365], %swap3A_368 {strides = array<i32>} : memref<1536xf32, #tpu.memory_space<vmem>>, vector<16xf32>,
    %get3A_369 = arith.constant 19 : i32
    %get3A_370 = arith.index_cast %get3A_369 : i32 to index
    %get3A_371 = arith.constant 0 : index
    %get3A_372 = tpu.vector_load %arg15[%get3A_370, %get3A_371] {strides = array<i32>} : memref<32x16xf32, #tpu.memory_space<vmem>>, vector<1x16xf32>,
    %get3A_373 = vector.shape_cast %get3A_372 : vector<1x16xf32> to vector<16xf32>
    %swap3A_374 = arith.constant 944 : index
    %swap3A_375 = tpu.vector_load %arg11[%swap3A_374] {strides = array<i32>} : memref<1536xf32, #tpu.memory_space<vmem>>, vector<16xf32>,
    %swap3A_376 = vector.shape_cast %swap3A_375 : vector<16xf32> to vector<16xf32>
    %swap3A_377 = vector.shape_cast %get3A_373 : vector<16xf32> to vector<16xf32>
    tpu.vector_store %arg11[%swap3A_374], %swap3A_377 {strides = array<i32>} : memref<1536xf32, #tpu.memory_space<vmem>>, vector<16xf32>,
    %get3A_378 = arith.constant 20 : i32
    %get3A_379 = arith.index_cast %get3A_378 : i32 to index
    %get3A_380 = arith.constant 0 : index
    %get3A_381 = tpu.vector_load %arg14[%get3A_379, %get3A_380] {strides = array<i32>} : memref<32x16xf32, #tpu.memory_space<vmem>>, vector<1x16xf32>,
    %get3A_382 = vector.shape_cast %get3A_381 : vector<1x16xf32> to vector<16xf32>
    %swap3A_383 = arith.constant 976 : index
    %swap3A_384 = tpu.vector_load %arg11[%swap3A_383] {strides = array<i32>} : memref<1536xf32, #tpu.memory_space<vmem>>, vector<16xf32>,
    %swap3A_385 = vector.shape_cast %swap3A_384 : vector<16xf32> to vector<16xf32>
    %swap3A_386 = vector.shape_cast %get3A_382 : vector<16xf32> to vector<16xf32>
    tpu.vector_store %arg11[%swap3A_383], %swap3A_386 {strides = array<i32>} : memref<1536xf32, #tpu.memory_space<vmem>>, vector<16xf32>,
    %get3A_387 = arith.constant 20 : i32
    %get3A_388 = arith.index_cast %get3A_387 : i32 to index
    %get3A_389 = arith.constant 0 : index
    %get3A_390 = tpu.vector_load %arg15[%get3A_388, %get3A_389] {strides = array<i32>} : memref<32x16xf32, #tpu.memory_space<vmem>>, vector<1x16xf32>,
    %get3A_391 = vector.shape_cast %get3A_390 : vector<1x16xf32> to vector<16xf32>
    %swap3A_392 = arith.constant 992 : index
    %swap3A_393 = tpu.vector_load %arg11[%swap3A_392] {strides = array<i32>} : memref<1536xf32, #tpu.memory_space<vmem>>, vector<16xf32>,
    %swap3A_394 = vector.shape_cast %swap3A_393 : vector<16xf32> to vector<16xf32>
    %swap3A_395 = vector.shape_cast %get3A_391 : vector<16xf32> to vector<16xf32>
    tpu.vector_store %arg11[%swap3A_392], %swap3A_395 {strides = array<i32>} : memref<1536xf32, #tpu.memory_space<vmem>>, vector<16xf32>,
    %get3A_396 = arith.constant 21 : i32
    %get3A_397 = arith.index_cast %get3A_396 : i32 to index
    %get3A_398 = arith.constant 0 : index
    %get3A_399 = tpu.vector_load %arg14[%get3A_397, %get3A_398] {strides = array<i32>} : memref<32x16xf32, #tpu.memory_space<vmem>>, vector<1x16xf32>,
    %get3A_400 = vector.shape_cast %get3A_399 : vector<1x16xf32> to vector<16xf32>
    %swap3A_401 = arith.constant 1024 : index
    %swap3A_402 = tpu.vector_load %arg11[%swap3A_401] {strides = array<i32>} : memref<1536xf32, #tpu.memory_space<vmem>>, vector<16xf32>,
    %swap3A_403 = vector.shape_cast %swap3A_402 : vector<16xf32> to vector<16xf32>
    %swap3A_404 = vector.shape_cast %get3A_400 : vector<16xf32> to vector<16xf32>
    tpu.vector_store %arg11[%swap3A_401], %swap3A_404 {strides = array<i32>} : memref<1536xf32, #tpu.memory_space<vmem>>, vector<16xf32>,
    %get3A_405 = arith.constant 21 : i32
    %get3A_406 = arith.index_cast %get3A_405 : i32 to index
    %get3A_407 = arith.constant 0 : index
    %get3A_408 = tpu.vector_load %arg15[%get3A_406, %get3A_407] {strides = array<i32>} : memref<32x16xf32, #tpu.memory_space<vmem>>, vector<1x16xf32>,
    %get3A_409 = vector.shape_cast %get3A_408 : vector<1x16xf32> to vector<16xf32>
    %swap3A_410 = arith.constant 1040 : index
    %swap3A_411 = tpu.vector_load %arg11[%swap3A_410] {strides = array<i32>} : memref<1536xf32, #tpu.memory_space<vmem>>, vector<16xf32>,
    %swap3A_412 = vector.shape_cast %swap3A_411 : vector<16xf32> to vector<16xf32>
    %swap3A_413 = vector.shape_cast %get3A_409 : vector<16xf32> to vector<16xf32>
    tpu.vector_store %arg11[%swap3A_410], %swap3A_413 {strides = array<i32>} : memref<1536xf32, #tpu.memory_space<vmem>>, vector<16xf32>,
    %get3A_414 = arith.constant 22 : i32
    %get3A_415 = arith.index_cast %get3A_414 : i32 to index
    %get3A_416 = arith.constant 0 : index
    %get3A_417 = tpu.vector_load %arg14[%get3A_415, %get3A_416] {strides = array<i32>} : memref<32x16xf32, #tpu.memory_space<vmem>>, vector<1x16xf32>,
    %get3A_418 = vector.shape_cast %get3A_417 : vector<1x16xf32> to vector<16xf32>
    %swap3A_419 = arith.constant 1072 : index
    %swap3A_420 = tpu.vector_load %arg11[%swap3A_419] {strides = array<i32>} : memref<1536xf32, #tpu.memory_space<vmem>>, vector<16xf32>,
    %swap3A_421 = vector.shape_cast %swap3A_420 : vector<16xf32> to vector<16xf32>
    %swap3A_422 = vector.shape_cast %get3A_418 : vector<16xf32> to vector<16xf32>
    tpu.vector_store %arg11[%swap3A_419], %swap3A_422 {strides = array<i32>} : memref<1536xf32, #tpu.memory_space<vmem>>, vector<16xf32>,
    %get3A_423 = arith.constant 22 : i32
    %get3A_424 = arith.index_cast %get3A_423 : i32 to index
    %get3A_425 = arith.constant 0 : index
    %get3A_426 = tpu.vector_load %arg15[%get3A_424, %get3A_425] {strides = array<i32>} : memref<32x16xf32, #tpu.memory_space<vmem>>, vector<1x16xf32>,
    %get3A_427 = vector.shape_cast %get3A_426 : vector<1x16xf32> to vector<16xf32>
    %swap3A_428 = arith.constant 1088 : index
    %swap3A_429 = tpu.vector_load %arg11[%swap3A_428] {strides = array<i32>} : memref<1536xf32, #tpu.memory_space<vmem>>, vector<16xf32>,
    %swap3A_430 = vector.shape_cast %swap3A_429 : vector<16xf32> to vector<16xf32>
    %swap3A_431 = vector.shape_cast %get3A_427 : vector<16xf32> to vector<16xf32>
    tpu.vector_store %arg11[%swap3A_428], %swap3A_431 {strides = array<i32>} : memref<1536xf32, #tpu.memory_space<vmem>>, vector<16xf32>,
    %get3A_432 = arith.constant 23 : i32
    %get3A_433 = arith.index_cast %get3A_432 : i32 to index
    %get3A_434 = arith.constant 0 : index
    %get3A_435 = tpu.vector_load %arg14[%get3A_433, %get3A_434] {strides = array<i32>} : memref<32x16xf32, #tpu.memory_space<vmem>>, vector<1x16xf32>,
    %get3A_436 = vector.shape_cast %get3A_435 : vector<1x16xf32> to vector<16xf32>
    %swap3A_437 = arith.constant 1120 : index
    %swap3A_438 = tpu.vector_load %arg11[%swap3A_437] {strides = array<i32>} : memref<1536xf32, #tpu.memory_space<vmem>>, vector<16xf32>,
    %swap3A_439 = vector.shape_cast %swap3A_438 : vector<16xf32> to vector<16xf32>
    %swap3A_440 = vector.shape_cast %get3A_436 : vector<16xf32> to vector<16xf32>
    tpu.vector_store %arg11[%swap3A_437], %swap3A_440 {strides = array<i32>} : memref<1536xf32, #tpu.memory_space<vmem>>, vector<16xf32>,
    %get3A_441 = arith.constant 23 : i32
    %get3A_442 = arith.index_cast %get3A_441 : i32 to index
    %get3A_443 = arith.constant 0 : index
    %get3A_444 = tpu.vector_load %arg15[%get3A_442, %get3A_443] {strides = array<i32>} : memref<32x16xf32, #tpu.memory_space<vmem>>, vector<1x16xf32>,
    %get3A_445 = vector.shape_cast %get3A_444 : vector<1x16xf32> to vector<16xf32>
    %swap3A_446 = arith.constant 1136 : index
    %swap3A_447 = tpu.vector_load %arg11[%swap3A_446] {strides = array<i32>} : memref<1536xf32, #tpu.memory_space<vmem>>, vector<16xf32>,
    %swap3A_448 = vector.shape_cast %swap3A_447 : vector<16xf32> to vector<16xf32>
    %swap3A_449 = vector.shape_cast %get3A_445 : vector<16xf32> to vector<16xf32>
    tpu.vector_store %arg11[%swap3A_446], %swap3A_449 {strides = array<i32>} : memref<1536xf32, #tpu.memory_space<vmem>>, vector<16xf32>,
    %get3A_450 = arith.constant 24 : i32
    %get3A_451 = arith.index_cast %get3A_450 : i32 to index
    %get3A_452 = arith.constant 0 : index
    %get3A_453 = tpu.vector_load %arg14[%get3A_451, %get3A_452] {strides = array<i32>} : memref<32x16xf32, #tpu.memory_space<vmem>>, vector<1x16xf32>,
    %get3A_454 = vector.shape_cast %get3A_453 : vector<1x16xf32> to vector<16xf32>
    %swap3A_455 = arith.constant 1168 : index
    %swap3A_456 = tpu.vector_load %arg11[%swap3A_455] {strides = array<i32>} : memref<1536xf32, #tpu.memory_space<vmem>>, vector<16xf32>,
    %swap3A_457 = vector.shape_cast %swap3A_456 : vector<16xf32> to vector<16xf32>
    %swap3A_458 = vector.shape_cast %get3A_454 : vector<16xf32> to vector<16xf32>
    tpu.vector_store %arg11[%swap3A_455], %swap3A_458 {strides = array<i32>} : memref<1536xf32, #tpu.memory_space<vmem>>, vector<16xf32>,
    %get3A_459 = arith.constant 24 : i32
    %get3A_460 = arith.index_cast %get3A_459 : i32 to index
    %get3A_461 = arith.constant 0 : index
    %get3A_462 = tpu.vector_load %arg15[%get3A_460, %get3A_461] {strides = array<i32>} : memref<32x16xf32, #tpu.memory_space<vmem>>, vector<1x16xf32>,
    %get3A_463 = vector.shape_cast %get3A_462 : vector<1x16xf32> to vector<16xf32>
    %swap3A_464 = arith.constant 1184 : index
    %swap3A_465 = tpu.vector_load %arg11[%swap3A_464] {strides = array<i32>} : memref<1536xf32, #tpu.memory_space<vmem>>, vector<16xf32>,
    %swap3A_466 = vector.shape_cast %swap3A_465 : vector<16xf32> to vector<16xf32>
    %swap3A_467 = vector.shape_cast %get3A_463 : vector<16xf32> to vector<16xf32>
    tpu.vector_store %arg11[%swap3A_464], %swap3A_467 {strides = array<i32>} : memref<1536xf32, #tpu.memory_space<vmem>>, vector<16xf32>,
    %get3A_468 = arith.constant 25 : i32
    %get3A_469 = arith.index_cast %get3A_468 : i32 to index
    %get3A_470 = arith.constant 0 : index
    %get3A_471 = tpu.vector_load %arg14[%get3A_469, %get3A_470] {strides = array<i32>} : memref<32x16xf32, #tpu.memory_space<vmem>>, vector<1x16xf32>,
    %get3A_472 = vector.shape_cast %get3A_471 : vector<1x16xf32> to vector<16xf32>
    %swap3A_473 = arith.constant 1216 : index
    %swap3A_474 = tpu.vector_load %arg11[%swap3A_473] {strides = array<i32>} : memref<1536xf32, #tpu.memory_space<vmem>>, vector<16xf32>,
    %swap3A_475 = vector.shape_cast %swap3A_474 : vector<16xf32> to vector<16xf32>
    %swap3A_476 = vector.shape_cast %get3A_472 : vector<16xf32> to vector<16xf32>
    tpu.vector_store %arg11[%swap3A_473], %swap3A_476 {strides = array<i32>} : memref<1536xf32, #tpu.memory_space<vmem>>, vector<16xf32>,
    %get3A_477 = arith.constant 25 : i32
    %get3A_478 = arith.index_cast %get3A_477 : i32 to index
    %get3A_479 = arith.constant 0 : index
    %get3A_480 = tpu.vector_load %arg15[%get3A_478, %get3A_479] {strides = array<i32>} : memref<32x16xf32, #tpu.memory_space<vmem>>, vector<1x16xf32>,
    %get3A_481 = vector.shape_cast %get3A_480 : vector<1x16xf32> to vector<16xf32>
    %swap3A_482 = arith.constant 1232 : index
    %swap3A_483 = tpu.vector_load %arg11[%swap3A_482] {strides = array<i32>} : memref<1536xf32, #tpu.memory_space<vmem>>, vector<16xf32>,
    %swap3A_484 = vector.shape_cast %swap3A_483 : vector<16xf32> to vector<16xf32>
    %swap3A_485 = vector.shape_cast %get3A_481 : vector<16xf32> to vector<16xf32>
    tpu.vector_store %arg11[%swap3A_482], %swap3A_485 {strides = array<i32>} : memref<1536xf32, #tpu.memory_space<vmem>>, vector<16xf32>,
    %get3A_486 = arith.constant 26 : i32
    %get3A_487 = arith.index_cast %get3A_486 : i32 to index
    %get3A_488 = arith.constant 0 : index
    %get3A_489 = tpu.vector_load %arg14[%get3A_487, %get3A_488] {strides = array<i32>} : memref<32x16xf32, #tpu.memory_space<vmem>>, vector<1x16xf32>,
    %get3A_490 = vector.shape_cast %get3A_489 : vector<1x16xf32> to vector<16xf32>
    %swap3A_491 = arith.constant 1264 : index
    %swap3A_492 = tpu.vector_load %arg11[%swap3A_491] {strides = array<i32>} : memref<1536xf32, #tpu.memory_space<vmem>>, vector<16xf32>,
    %swap3A_493 = vector.shape_cast %swap3A_492 : vector<16xf32> to vector<16xf32>
    %swap3A_494 = vector.shape_cast %get3A_490 : vector<16xf32> to vector<16xf32>
    tpu.vector_store %arg11[%swap3A_491], %swap3A_494 {strides = array<i32>} : memref<1536xf32, #tpu.memory_space<vmem>>, vector<16xf32>,
    %get3A_495 = arith.constant 26 : i32
    %get3A_496 = arith.index_cast %get3A_495 : i32 to index
    %get3A_497 = arith.constant 0 : index
    %get3A_498 = tpu.vector_load %arg15[%get3A_496, %get3A_497] {strides = array<i32>} : memref<32x16xf32, #tpu.memory_space<vmem>>, vector<1x16xf32>,
    %get3A_499 = vector.shape_cast %get3A_498 : vector<1x16xf32> to vector<16xf32>
    %swap3A_500 = arith.constant 1280 : index
    %swap3A_501 = tpu.vector_load %arg11[%swap3A_500] {strides = array<i32>} : memref<1536xf32, #tpu.memory_space<vmem>>, vector<16xf32>,
    %swap3A_502 = vector.shape_cast %swap3A_501 : vector<16xf32> to vector<16xf32>
    %swap3A_503 = vector.shape_cast %get3A_499 : vector<16xf32> to vector<16xf32>
    tpu.vector_store %arg11[%swap3A_500], %swap3A_503 {strides = array<i32>} : memref<1536xf32, #tpu.memory_space<vmem>>, vector<16xf32>,
    %get3A_504 = arith.constant 27 : i32
    %get3A_505 = arith.index_cast %get3A_504 : i32 to index
    %get3A_506 = arith.constant 0 : index
    %get3A_507 = tpu.vector_load %arg14[%get3A_505, %get3A_506] {strides = array<i32>} : memref<32x16xf32, #tpu.memory_space<vmem>>, vector<1x16xf32>,
    %get3A_508 = vector.shape_cast %get3A_507 : vector<1x16xf32> to vector<16xf32>
    %swap3A_509 = arith.constant 1312 : index
    %swap3A_510 = tpu.vector_load %arg11[%swap3A_509] {strides = array<i32>} : memref<1536xf32, #tpu.memory_space<vmem>>, vector<16xf32>,
    %swap3A_511 = vector.shape_cast %swap3A_510 : vector<16xf32> to vector<16xf32>
    %swap3A_512 = vector.shape_cast %get3A_508 : vector<16xf32> to vector<16xf32>
    tpu.vector_store %arg11[%swap3A_509], %swap3A_512 {strides = array<i32>} : memref<1536xf32, #tpu.memory_space<vmem>>, vector<16xf32>,
    %get3A_513 = arith.constant 27 : i32
    %get3A_514 = arith.index_cast %get3A_513 : i32 to index
    %get3A_515 = arith.constant 0 : index
    %get3A_516 = tpu.vector_load %arg15[%get3A_514, %get3A_515] {strides = array<i32>} : memref<32x16xf32, #tpu.memory_space<vmem>>, vector<1x16xf32>,
    %get3A_517 = vector.shape_cast %get3A_516 : vector<1x16xf32> to vector<16xf32>
    %swap3A_518 = arith.constant 1328 : index
    %swap3A_519 = tpu.vector_load %arg11[%swap3A_518] {strides = array<i32>} : memref<1536xf32, #tpu.memory_space<vmem>>, vector<16xf32>,
    %swap3A_520 = vector.shape_cast %swap3A_519 : vector<16xf32> to vector<16xf32>
    %swap3A_521 = vector.shape_cast %get3A_517 : vector<16xf32> to vector<16xf32>
    tpu.vector_store %arg11[%swap3A_518], %swap3A_521 {strides = array<i32>} : memref<1536xf32, #tpu.memory_space<vmem>>, vector<16xf32>,
    %get3A_522 = arith.constant 28 : i32
    %get3A_523 = arith.index_cast %get3A_522 : i32 to index
    %get3A_524 = arith.constant 0 : index
    %get3A_525 = tpu.vector_load %arg14[%get3A_523, %get3A_524] {strides = array<i32>} : memref<32x16xf32, #tpu.memory_space<vmem>>, vector<1x16xf32>,
    %get3A_526 = vector.shape_cast %get3A_525 : vector<1x16xf32> to vector<16xf32>
    %swap3A_527 = arith.constant 1360 : index
    %swap3A_528 = tpu.vector_load %arg11[%swap3A_527] {strides = array<i32>} : memref<1536xf32, #tpu.memory_space<vmem>>, vector<16xf32>,
    %swap3A_529 = vector.shape_cast %swap3A_528 : vector<16xf32> to vector<16xf32>
    %swap3A_530 = vector.shape_cast %get3A_526 : vector<16xf32> to vector<16xf32>
    tpu.vector_store %arg11[%swap3A_527], %swap3A_530 {strides = array<i32>} : memref<1536xf32, #tpu.memory_space<vmem>>, vector<16xf32>,
    %get3A_531 = arith.constant 28 : i32
    %get3A_532 = arith.index_cast %get3A_531 : i32 to index
    %get3A_533 = arith.constant 0 : index
    %get3A_534 = tpu.vector_load %arg15[%get3A_532, %get3A_533] {strides = array<i32>} : memref<32x16xf32, #tpu.memory_space<vmem>>, vector<1x16xf32>,
    %get3A_535 = vector.shape_cast %get3A_534 : vector<1x16xf32> to vector<16xf32>
    %swap3A_536 = arith.constant 1376 : index
    %swap3A_537 = tpu.vector_load %arg11[%swap3A_536] {strides = array<i32>} : memref<1536xf32, #tpu.memory_space<vmem>>, vector<16xf32>,
    %swap3A_538 = vector.shape_cast %swap3A_537 : vector<16xf32> to vector<16xf32>
    %swap3A_539 = vector.shape_cast %get3A_535 : vector<16xf32> to vector<16xf32>
    tpu.vector_store %arg11[%swap3A_536], %swap3A_539 {strides = array<i32>} : memref<1536xf32, #tpu.memory_space<vmem>>, vector<16xf32>,
    %get3A_540 = arith.constant 29 : i32
    %get3A_541 = arith.index_cast %get3A_540 : i32 to index
    %get3A_542 = arith.constant 0 : index
    %get3A_543 = tpu.vector_load %arg14[%get3A_541, %get3A_542] {strides = array<i32>} : memref<32x16xf32, #tpu.memory_space<vmem>>, vector<1x16xf32>,
    %get3A_544 = vector.shape_cast %get3A_543 : vector<1x16xf32> to vector<16xf32>
    %swap3A_545 = arith.constant 1408 : index
    %swap3A_546 = tpu.vector_load %arg11[%swap3A_545] {strides = array<i32>} : memref<1536xf32, #tpu.memory_space<vmem>>, vector<16xf32>,
    %swap3A_547 = vector.shape_cast %swap3A_546 : vector<16xf32> to vector<16xf32>
    %swap3A_548 = vector.shape_cast %get3A_544 : vector<16xf32> to vector<16xf32>
    tpu.vector_store %arg11[%swap3A_545], %swap3A_548 {strides = array<i32>} : memref<1536xf32, #tpu.memory_space<vmem>>, vector<16xf32>,
    %get3A_549 = arith.constant 29 : i32
    %get3A_550 = arith.index_cast %get3A_549 : i32 to index
    %get3A_551 = arith.constant 0 : index
    %get3A_552 = tpu.vector_load %arg15[%get3A_550, %get3A_551] {strides = array<i32>} : memref<32x16xf32, #tpu.memory_space<vmem>>, vector<1x16xf32>,
    %get3A_553 = vector.shape_cast %get3A_552 : vector<1x16xf32> to vector<16xf32>
    %swap3A_554 = arith.constant 1424 : index
    %swap3A_555 = tpu.vector_load %arg11[%swap3A_554] {strides = array<i32>} : memref<1536xf32, #tpu.memory_space<vmem>>, vector<16xf32>,
    %swap3A_556 = vector.shape_cast %swap3A_555 : vector<16xf32> to vector<16xf32>
    %swap3A_557 = vector.shape_cast %get3A_553 : vector<16xf32> to vector<16xf32>
    tpu.vector_store %arg11[%swap3A_554], %swap3A_557 {strides = array<i32>} : memref<1536xf32, #tpu.memory_space<vmem>>, vector<16xf32>,
    %get3A_558 = arith.constant 30 : i32
    %get3A_559 = arith.index_cast %get3A_558 : i32 to index
    %get3A_560 = arith.constant 0 : index
    %get3A_561 = tpu.vector_load %arg14[%get3A_559, %get3A_560] {strides = array<i32>} : memref<32x16xf32, #tpu.memory_space<vmem>>, vector<1x16xf32>,
    %get3A_562 = vector.shape_cast %get3A_561 : vector<1x16xf32> to vector<16xf32>
    %swap3A_563 = arith.constant 1456 : index
    %swap3A_564 = tpu.vector_load %arg11[%swap3A_563] {strides = array<i32>} : memref<1536xf32, #tpu.memory_space<vmem>>, vector<16xf32>,
    %swap3A_565 = vector.shape_cast %swap3A_564 : vector<16xf32> to vector<16xf32>
    %swap3A_566 = vector.shape_cast %get3A_562 : vector<16xf32> to vector<16xf32>
    tpu.vector_store %arg11[%swap3A_563], %swap3A_566 {strides = array<i32>} : memref<1536xf32, #tpu.memory_space<vmem>>, vector<16xf32>,
    %get3A_567 = arith.constant 30 : i32
    %get3A_568 = arith.index_cast %get3A_567 : i32 to index
    %get3A_569 = arith.constant 0 : index
    %get3A_570 = tpu.vector_load %arg15[%get3A_568, %get3A_569] {strides = array<i32>} : memref<32x16xf32, #tpu.memory_space<vmem>>, vector<1x16xf32>,
    %get3A_571 = vector.shape_cast %get3A_570 : vector<1x16xf32> to vector<16xf32>
    %swap3A_572 = arith.constant 1472 : index
    %swap3A_573 = tpu.vector_load %arg11[%swap3A_572] {strides = array<i32>} : memref<1536xf32, #tpu.memory_space<vmem>>, vector<16xf32>,
    %swap3A_574 = vector.shape_cast %swap3A_573 : vector<16xf32> to vector<16xf32>
    %swap3A_575 = vector.shape_cast %get3A_571 : vector<16xf32> to vector<16xf32>
    tpu.vector_store %arg11[%swap3A_572], %swap3A_575 {strides = array<i32>} : memref<1536xf32, #tpu.memory_space<vmem>>, vector<16xf32>,
    %get3A_576 = arith.constant 31 : i32
    %get3A_577 = arith.index_cast %get3A_576 : i32 to index
    %get3A_578 = arith.constant 0 : index
    %get3A_579 = tpu.vector_load %arg14[%get3A_577, %get3A_578] {strides = array<i32>} : memref<32x16xf32, #tpu.memory_space<vmem>>, vector<1x16xf32>,
    %get3A_580 = vector.shape_cast %get3A_579 : vector<1x16xf32> to vector<16xf32>
    %swap3A_581 = arith.constant 1504 : index
    %swap3A_582 = tpu.vector_load %arg11[%swap3A_581] {strides = array<i32>} : memref<1536xf32, #tpu.memory_space<vmem>>, vector<16xf32>,
    %swap3A_583 = vector.shape_cast %swap3A_582 : vector<16xf32> to vector<16xf32>
    %swap3A_584 = vector.shape_cast %get3A_580 : vector<16xf32> to vector<16xf32>
    tpu.vector_store %arg11[%swap3A_581], %swap3A_584 {strides = array<i32>} : memref<1536xf32, #tpu.memory_space<vmem>>, vector<16xf32>,
    %get3A_585 = arith.constant 31 : i32
    %get3A_586 = arith.index_cast %get3A_585 : i32 to index
    %get3A_587 = arith.constant 0 : index
    %get3A_588 = tpu.vector_load %arg15[%get3A_586, %get3A_587] {strides = array<i32>} : memref<32x16xf32, #tpu.memory_space<vmem>>, vector<1x16xf32>,
    %get3A_589 = vector.shape_cast %get3A_588 : vector<1x16xf32> to vector<16xf32>
    %swap3A_590 = arith.constant 1520 : index
    %swap3A_591 = tpu.vector_load %arg11[%swap3A_590] {strides = array<i32>} : memref<1536xf32, #tpu.memory_space<vmem>>, vector<16xf32>,
    %swap3A_592 = vector.shape_cast %swap3A_591 : vector<16xf32> to vector<16xf32>
    %swap3A_593 = vector.shape_cast %get3A_589 : vector<16xf32> to vector<16xf32>
    tpu.vector_store %arg11[%swap3A_590], %swap3A_593 {strides = array<i32>} : memref<1536xf32, #tpu.memory_space<vmem>>, vector<16xf32>,
    %mul3A_594 = arith.constant 48 : i32
    %mul3A_595 = arith.muli %mul3A_2, %mul3A_594 : i32
    "tpu.region"() ({
      %run_scoped3A = tpu.sem_alloc : memref<!tpu.dma_semaphore, #tpu.memory_space<semaphore_mem>>
      %dma_start3A_596 = tpu.memref_slice %arg8[%mul3A_595] : memref<49152xf32, #tpu.memory_space<hbm>> -> memref<1536xf32, #tpu.memory_space<hbm>>
      %dma_start3A_597 = tpu.memref_slice %arg8[%mul3A_595] : memref<49152xf32, #tpu.memory_space<hbm>> -> memref<1536xf32, #tpu.memory_space<hbm>>
      tpu.enqueue_dma source(%arg11 : memref<1536xf32, #tpu.memory_space<vmem>>) target(%dma_start3A_597 : memref<1536xf32, #tpu.memory_space<hbm>>) target_semaphore(%run_scoped3A : memref<!tpu.dma_semaphore, #tpu.memory_space<semaphore_mem>>)
      %dma_wait3A_598 = tpu.memref_slice %arg8[%mul3A_595] : memref<49152xf32, #tpu.memory_space<hbm>> -> memref<1536xf32, #tpu.memory_space<hbm>>
      %dma_wait3A_599 = tpu.memref_slice %arg8[%mul3A_595] : memref<49152xf32, #tpu.memory_space<hbm>> -> memref<1536xf32, #tpu.memory_space<hbm>>
      tpu.wait_dma2 semaphore(%run_scoped3A : memref<!tpu.dma_semaphore, #tpu.memory_space<semaphore_mem>>) src(%arg11 : memref<1536xf32, #tpu.memory_space<vmem>>) dst(%dma_wait3A_599 : memref<1536xf32, #tpu.memory_space<hbm>>)
      tpu.yield
    }) : () -> ()
    return
  }
}

module attributes {stable_mosaic.version = 14 : i64} {
  func.func @_tc_body(%arg0: i32, %arg1: memref<1024x48xf32, #tpu.memory_space<vmem>>, %arg2: memref<48x48xf32, #tpu.memory_space<vmem>>, %arg3: memref<1x48xf32, #tpu.memory_space<vmem>>, %arg4: memref<48x48xf32, #tpu.memory_space<vmem>>, %arg5: memref<1x48xf32, #tpu.memory_space<vmem>>, %arg6: memref<48x2048xf32, #tpu.memory_space<vmem>>, %arg7: memref<1x2048xf32, #tpu.memory_space<vmem>>, %arg8: memref<1024x2048xf32, #tpu.memory_space<vmem>>, %arg9: memref<1024x48xf32, #tpu.memory_space<vmem>>) attributes {dimension_semantics = [#tpu.dimension_semantics<arbitrary>], iteration_bounds = array<i64: 49>, scalar_prefetch = 0 : i64, scratch_operands = 1 : i64, tpu.core_type = #tpu.core_type<tc>, window_params = [{pipeline_mode = #tpu.pipeline_mode<synchronous>, transform_indices = @transform_0, window_bounds = array<i64: 1024, 48>}, {pipeline_mode = #tpu.pipeline_mode<synchronous>, transform_indices = @transform_1, window_bounds = array<i64: 48, 48>}, {pipeline_mode = #tpu.pipeline_mode<synchronous>, transform_indices = @transform_2, window_bounds = array<i64: 1, 48>}, {pipeline_mode = #tpu.pipeline_mode<synchronous>, transform_indices = @transform_3, window_bounds = array<i64: 48, 48>}, {pipeline_mode = #tpu.pipeline_mode<synchronous>, transform_indices = @transform_4, window_bounds = array<i64: 1, 48>}, {transform_indices = @transform_5, window_bounds = array<i64: 48, 2048>}, {transform_indices = @transform_6, window_bounds = array<i64: 1, 2048>}, {transform_indices = @transform_7, window_bounds = array<i64: 1024, 2048>}]} {
    %eq3A = arith.constant 0 : i32
    %eq3A_0 = arith.cmpi eq, %arg0, %eq3A : i32
    %convert_element_type3A = arith.extui %eq3A_0 : i1 to i32
    %cond3A = arith.constant 0 : i32
    %cond3A_1 = arith.cmpi ne, %convert_element_type3A, %cond3A : i32
    scf.if %cond3A_1 {
      %get3A_14 = arith.constant 0 : index
      %get3A_15 = arith.constant 0 : index
      %get3A_16 = vector.load %arg1[%get3A_14, %get3A_15] : memref<1024x48xf32, #tpu.memory_space<vmem>>, vector<1024x48xf32>
      %get3A_17 = arith.constant 0 : index
      %get3A_18 = arith.constant 0 : index
      %get3A_19 = vector.load %arg2[%get3A_17, %get3A_18] : memref<48x48xf32, #tpu.memory_space<vmem>>, vector<48x48xf32>
      %dot_general3A_20 = arith.constant dense<0.000000e+00> : vector<1024x48xf32>
      %dot_general3A_21 = tpu.matmul %get3A_16, %get3A_19, %dot_general3A_20 {dimension_numbers = #tpu.dot_dimension_numbers<[1], [0], [0], [1], [0, 0, 1, 1], [], []>, transpose_lhs_hint = false} : vector<1024x48xf32>, vector<48x48xf32>, vector<1024x48xf32> -> vector<1024x48xf32>
      %get3A_22 = arith.constant 0 : index
      %get3A_23 = arith.constant 0 : index
      %get3A_24 = vector.load %arg3[%get3A_22, %get3A_23] : memref<1x48xf32, #tpu.memory_space<vmem>>, vector<1x48xf32>
      %add3A_25 = vector.broadcast %get3A_24 : vector<1x48xf32> to vector<1024x48xf32>
      %add3A_26 = arith.addf %dot_general3A_21, %add3A_25 : vector<1024x48xf32>
      %max3A = arith.constant 0.000000e+00 : f32
      %max3A_27 = vector.broadcast %max3A : f32 to vector<1024x48xf32>
      %max3A_28 = arith.maximumf %add3A_26, %max3A_27 : vector<1024x48xf32>
      %get3A_29 = arith.constant 0 : index
      %get3A_30 = arith.constant 0 : index
      %get3A_31 = vector.load %arg4[%get3A_29, %get3A_30] : memref<48x48xf32, #tpu.memory_space<vmem>>, vector<48x48xf32>
      %dot_general3A_32 = arith.constant dense<0.000000e+00> : vector<1024x48xf32>
      %dot_general3A_33 = tpu.matmul %max3A_28, %get3A_31, %dot_general3A_32 {dimension_numbers = #tpu.dot_dimension_numbers<[1], [0], [0], [1], [0, 0, 1, 1], [], []>, transpose_lhs_hint = false} : vector<1024x48xf32>, vector<48x48xf32>, vector<1024x48xf32> -> vector<1024x48xf32>
      %get3A_34 = arith.constant 0 : index
      %get3A_35 = arith.constant 0 : index
      %get3A_36 = vector.load %arg5[%get3A_34, %get3A_35] : memref<1x48xf32, #tpu.memory_space<vmem>>, vector<1x48xf32>
      %add3A_37 = vector.broadcast %get3A_36 : vector<1x48xf32> to vector<1024x48xf32>
      %add3A_38 = arith.addf %dot_general3A_33, %add3A_37 : vector<1024x48xf32>
      %max3A_39 = arith.constant 0.000000e+00 : f32
      %max3A_40 = vector.broadcast %max3A_39 : f32 to vector<1024x48xf32>
      %max3A_41 = arith.maximumf %add3A_38, %max3A_40 : vector<1024x48xf32>
      %swap3A_42 = arith.constant 0 : index
      %swap3A_43 = arith.constant 0 : index
      %swap3A_44 = vector.load %arg9[%swap3A_42, %swap3A_43] : memref<1024x48xf32, #tpu.memory_space<vmem>>, vector<1024x48xf32>
      tpu.vector_store %arg9[%swap3A_42, %swap3A_43], %max3A_41 {strides = array<i32>} : memref<1024x48xf32, #tpu.memory_space<vmem>>, vector<1024x48xf32>,
    } else {
    }
    %get3A = arith.constant 0 : index
    %get3A_2 = arith.constant 0 : index
    %get3A_3 = vector.load %arg9[%get3A, %get3A_2] : memref<1024x48xf32, #tpu.memory_space<vmem>>, vector<1024x48xf32>
    %get3A_4 = arith.constant 0 : index
    %get3A_5 = arith.constant 0 : index
    %get3A_6 = vector.load %arg6[%get3A_4, %get3A_5] : memref<48x2048xf32, #tpu.memory_space<vmem>>, vector<48x2048xf32>
    %dot_general3A = arith.constant dense<0.000000e+00> : vector<1024x2048xf32>
    %dot_general3A_7 = tpu.matmul %get3A_3, %get3A_6, %dot_general3A {dimension_numbers = #tpu.dot_dimension_numbers<[1], [0], [0], [1], [0, 0, 1, 1], [], []>, transpose_lhs_hint = false} : vector<1024x48xf32>, vector<48x2048xf32>, vector<1024x2048xf32> -> vector<1024x2048xf32>
    %get3A_8 = arith.constant 0 : index
    %get3A_9 = arith.constant 0 : index
    %get3A_10 = vector.load %arg7[%get3A_8, %get3A_9] : memref<1x2048xf32, #tpu.memory_space<vmem>>, vector<1x2048xf32>
    %add3A = vector.broadcast %get3A_10 : vector<1x2048xf32> to vector<1024x2048xf32>
    %add3A_11 = arith.addf %dot_general3A_7, %add3A : vector<1024x2048xf32>
    %swap3A = arith.constant 0 : index
    %swap3A_12 = arith.constant 0 : index
    %swap3A_13 = vector.load %arg8[%swap3A, %swap3A_12] : memref<1024x2048xf32, #tpu.memory_space<vmem>>, vector<1024x2048xf32>
    tpu.vector_store %arg8[%swap3A, %swap3A_12], %add3A_11 {strides = array<i32>} : memref<1024x2048xf32, #tpu.memory_space<vmem>>, vector<1024x2048xf32>,
    return
  }
  func.func @transform_0(%arg0: i32) -> (i32, i32) {
    %c0_i32 = arith.constant 0 : i32
    %c0_i32_0 = arith.constant 0 : i32
    %c0_i32_1 = arith.constant 0 : i32
    return %c0_i32, %c0_i32_0 : i32, i32
  }
  func.func @transform_1(%arg0: i32) -> (i32, i32) {
    %c0_i32 = arith.constant 0 : i32
    %c0_i32_0 = arith.constant 0 : i32
    %c0_i32_1 = arith.constant 0 : i32
    return %c0_i32, %c0_i32_0 : i32, i32
  }
  func.func @transform_2(%arg0: i32) -> (i32, i32) {
    %c0_i32 = arith.constant 0 : i32
    %c0_i32_0 = arith.constant 0 : i32
    %c0_i32_1 = arith.constant 0 : i32
    return %c0_i32, %c0_i32_0 : i32, i32
  }
  func.func @transform_3(%arg0: i32) -> (i32, i32) {
    %c0_i32 = arith.constant 0 : i32
    %c0_i32_0 = arith.constant 0 : i32
    %c0_i32_1 = arith.constant 0 : i32
    return %c0_i32, %c0_i32_0 : i32, i32
  }
  func.func @transform_4(%arg0: i32) -> (i32, i32) {
    %c0_i32 = arith.constant 0 : i32
    %c0_i32_0 = arith.constant 0 : i32
    %c0_i32_1 = arith.constant 0 : i32
    return %c0_i32, %c0_i32_0 : i32, i32
  }
  func.func @transform_5(%arg0: i32) -> (i32, i32) {
    %c0_i32 = arith.constant 0 : i32
    %c0_i32_0 = arith.constant 0 : i32
    return %c0_i32, %arg0 : i32, i32
  }
  func.func @transform_6(%arg0: i32) -> (i32, i32) {
    %c0_i32 = arith.constant 0 : i32
    %c0_i32_0 = arith.constant 0 : i32
    return %c0_i32, %arg0 : i32, i32
  }
  func.func @transform_7(%arg0: i32) -> (i32, i32) {
    %c0_i32 = arith.constant 0 : i32
    %c0_i32_0 = arith.constant 0 : i32
    return %c0_i32, %arg0 : i32, i32
  }
}

</mosaic_0001>

<sc_bundles>
// kernel: kernel.4.cloned.1.call-start
scs
__scs_entry_jumppad:
0x0: {  	(pc) =	sbr.rel $0x88, $3  }
0x1: {  	(tag) =	ssettag $0x0;
	lr =	simm.s32 $0x1  }
0x2: {  	[smem:$0x3F95] =	sst lr;
	_ =	strace $0xD0000000  }
0x3: {  	_ = 	snop  }
0x4: {  	_ = 	snop  }
0x5: {  	_ = 	snop  }
0x6: {  	_ = 	snop  }
0x7: {  	_ = 	snop  }
__scs_overlays_trampoline_lowered:
0x8: {  	[smem:$0x3FA4] =	sst s0  }
0x9: {  	[smem:$0x3FA5] =	sst s1  }
0xa: {  	[smem:$0x3FA6] =	sst s2  }
0xb: {  	[smem:$0x3FA7] =	sst s3  }
0xc: {  	[smem:$0x3FA8] =	sst s4  }
0xd: {  	[smem:$0x3FA9] =	sst s5  }
0xe: {  	[smem:$0x3FAA] =	sst s6  }
0xf: {  	[smem:$0x3FAB] =	sst s7  }
0x10: {  	[smem:$0x3FAC] =	sst s8  }
0x11: {  	[smem:$0x3FAD] =	sst s9;
	s0 =	simm.s32 @!p0 $0x0  }
0x12: {  	s1 =	sld [smem:$0x3F93];
	s0 =	simm.s32 @p0 $0x1  }
0x13: {  	[smem:$0x3FAE] =	sst s0;
	s0 =	simm.s32 @!p1 $0x0  }
0x14: {  	s2 =	sld [smem:$0x3F92];
	s0 =	simm.s32 @p1 $0x1  }
0x15: {  	[smem:$0x3FAF] =	sst s0;
	s0 =	simm.s32 @!p2 $0x0  }
0x16: {  	s3 =	sld [smem:$0x3FDB];
	s0 =	simm.s32 @p2 $0x1  }
0x17: {  	s4 =	simm.s32 $0x1BF5;
	[smem:$0x3FB1] =	sst s0  }
0x18: {  	s0 =	sld [smem:$0x3F94];
	_ =	swait.ge [sflag:s4], $0x0  }
0x19: {  	s7 =	sld [smem:$0x3F95]  }
0x1a: {  	s8 =	sadd.s32 $0xFFFFE003, lr  }
0x1b: {  	s9 =	sadd.s32 $0xFFFFFEF7, lr;
	s5 =	simm.s32 $0xFFFFFFFF;
	p2 =	slt.u32 s8, $0xFFFFF086  }
0x1c: {  	p1 =	slt.u32 s9, $0xF7A;
	s5 =	simm.s32 @!p2 $0x0  }
0x1d: {  	s5 =	simm.s32 @p1 $0x1;
	p0 =	seq.s32 s7, s2  }
0x1e: {  	s7 =	smul.u32 @!p0 $0xF7A, s2;
	p2 =	seq.s32 @!p0 s5, $0x0  }
0x1f: {  	s9 =	smul.u32 $0xF7A, s1;
	s8 =	simm.s32 @!p0 $0x1BF5;
	p2 =	por !p2, p0  }
0x20: {  	[sflag:s8] =	ssyncset.s32 @!p0 $0xFFFFF086;
	s6 =	sadd.s32 @!p0 s3, s7;
	s7 =	simm.s32 @!p0 $0x108  }
0x21: {  	s3 =	sadd.s32 s3, s9;
	s6 =	sadd.s32 @!p0 $0x88, s6;
	s7 =	simm.s32 @p2 $0x1082  }
0x22: {  	[simem:s7], [sflag:s8] =	dma.local @!p0 [hbm:s6], $0xF7A  }
0x23: {  	s9 =	sor.u32 $0xD0000000, s2;
	s6 =	simm.s32 $0x108;
	_ =	swait.ge @!p0 [sflag:s8], $0x0  }
0x24: {  	s3 =	sadd.s32 $0x88, s3;
	s6 =	simm.s32 @!p1 $0x1082;
	[sflag:s4] =	ssyncset.s32 $0xFFFFF086  }
0x25: {  	[simem:s6], [sflag:s4] =	dma.local [hbm:s3], $0xF7A  }
0x26: {  	[smem:$0x3F95] =	sst s1;
	(tag) =	ssettag s2;
	_ =	strace s9  }
0x27: {  	s1 =	sld [smem:$0x3FA5]  }
0x28: {  	s2 =	sld [smem:$0x3FA6]  }
0x29: {  	s4 =	sld [smem:$0x3FA8]  }
0x2a: {  	p0 =	seq.s32 s5, $0x0;
	s5 =	sld [smem:$0x3FA9]  }
0x2b: {  	s6 =	sld [smem:$0x3FAA]  }
0x2c: {  	s7 =	sld [smem:$0x3FAB]  }
0x2d: {  	s3 =	simm.s32 $0x108;
	s8 =	sld [smem:$0x3FAC]  }
0x2e: {  	s3 =	simm.s32 @!p0 $0x1082;
	s9 =	sld [smem:$0x3FAD]  }
0x2f: {  	lr =	sadd.s32 s0, s3;
	s0 =	sld [smem:$0x3FA4]  }
0x30: {  	s3 =	sld [smem:$0x3FA7]  }
0x31: {  	[smem:$0x3FB0] =	sst s10  }
0x32: {  	s10 =	sld [smem:$0x3FAE];
	_ =	sdelay $0x3  }
0x33: {  	p0 =	seq.s32 s10, $0x1;
	s10 =	sld [smem:$0x3FB0];
	_ =	sdelay $0x3  }
0x34: {  	[smem:$0x3FB0] =	sst s10  }
0x35: {  	s10 =	sld [smem:$0x3FAF];
	_ =	sdelay $0x3  }
0x36: {  	p1 =	seq.s32 s10, $0x1;
	s10 =	sld [smem:$0x3FB0];
	_ =	sdelay $0x3  }
0x37: {  	[smem:$0x3FB0] =	sst s10  }
0x38: {  	s10 =	sld [smem:$0x3FB1]  }
0x39: {  	_ = 	snop;
	(pc) =	sbr.ind lr, $3  }
0x3a: {  	_ = 	snop  }
0x3b: {  	_ = 	snop  }
0x3c: {  	p2 =	seq.s32 s10, $0x1;
	s10 =	sld [smem:$0x3FB0]  }
0x3d: {  	_ =	shalt  }
0x3e: {  	_ =	shalt  }
0x3f: {  	_ =	shalt  }
0x40: {  	_ =	shalt  }
0x41: {  	_ =	shalt  }
0x42: {  	_ =	shalt  }
0x43: {  	_ =	shalt  }
0x44: {  	_ =	shalt  }
0x45: {  	_ =	shalt  }
0x46: {  	_ =	shalt  }
0x47: {  	_ =	shalt  }
0x48: {  	_ =	shalt  }
0x49: {  	_ =	shalt  }
0x4a: {  	_ =	shalt  }
0x4b: {  	_ =	shalt  }
0x4c: {  	_ =	shalt  }
0x4d: {  	_ =	shalt  }
0x4e: {  	_ =	shalt  }
0x4f: {  	_ =	shalt  }
0x50: {  	_ =	shalt  }
0x51: {  	_ =	shalt  }
0x52: {  	_ =	shalt  }
0x53: {  	_ =	shalt  }
0x54: {  	_ =	shalt  }
0x55: {  	_ =	shalt  }
0x56: {  	_ =	shalt  }
0x57: {  	_ =	shalt  }
0x58: {  	_ =	shalt  }
0x59: {  	_ =	shalt  }
0x5a: {  	_ =	shalt  }
0x5b: {  	_ =	shalt  }
0x5c: {  	_ =	shalt  }
0x5d: {  	_ =	shalt  }
0x5e: {  	_ =	shalt  }
0x5f: {  	_ =	shalt  }
0x60: {  	_ =	shalt  }
0x61: {  	_ =	shalt  }
0x62: {  	_ =	shalt  }
0x63: {  	_ =	shalt  }
0x64: {  	_ =	shalt  }
0x65: {  	_ =	shalt  }
0x66: {  	_ =	shalt  }
0x67: {  	_ =	shalt  }
0x68: {  	_ =	shalt  }
0x69: {  	_ =	shalt  }
0x6a: {  	_ =	shalt  }
0x6b: {  	_ =	shalt  }
0x6c: {  	_ =	shalt  }
0x6d: {  	_ =	shalt  }
0x6e: {  	_ =	shalt  }
0x6f: {  	_ =	shalt  }
0x70: {  	_ =	shalt  }
0x71: {  	_ =	shalt  }
0x72: {  	_ =	shalt  }
0x73: {  	_ =	shalt  }
0x74: {  	_ =	shalt  }
0x75: {  	_ =	shalt  }
0x76: {  	_ =	shalt  }
0x77: {  	_ =	shalt  }
0x78: {  	_ =	shalt  }
0x79: {  	_ =	shalt  }
0x7a: {  	_ =	shalt  }
0x7b: {  	_ =	shalt  }
0x7c: {  	_ =	shalt  }
0x7d: {  	_ =	shalt  }
0x7e: {  	_ =	shalt  }
0x7f: {  	_ =	shalt  }
0x80: {  	_ =	shalt  }
0x81: {  	_ =	shalt  }
0x82: {  	_ =	shalt  }
0x83: {  	_ =	shalt  }
0x84: {  	_ =	shalt  }
0x85: {  	_ =	shalt  }
0x86: {  	_ =	shalt  }
0x87: {  	_ =	shalt  }
.Lfunc_end0:
.L_simem_size_0:
called_computation_lowered:
.L_overlay_start_0:
0x88: {  	s2 =	sld [smem:$0x3FD9]  }
0x89: {  	s3 =	sld [smem:$0x3FFE];
	_ =	sdelay $0x1  }
0x8a: {  	s1 =	srdreg.scid  }
0x8b: {  	s0 =	sand.u32 $0x1, s1  }
0x8c: {  	s17 =	sshll.u32 s0, $0xA;
	s2 =	sadd.s32 s3, s2  }
0x8d: {  	s2 =	sadd.s32 s2, s17  }
0x8e: {  	[smem:$0x3FBC] =	sst s2  }
0x8f: {  	_ = 	snop  }
0x90: {  	s2 =	sld [smem:$0x3FC8]  }
0x91: {  	s18 =	sld [smem:$0x3FC7]  }
0x92: {  	s4 =	sld [smem:$0x3FD0];
	(tm) =	ssettm $0x1  }
0x93: {  	s5 =	sld [smem:$0x3FFB];
	_ =	sdelay $0x3  }
0x94: {  	_ =	strace s5  }
0x95: {  	s5 =	sld [smem:$0x3FFC];
	_ =	sdelay $0x3  }
0x96: {  	_ =	strace s5  }
0x97: {  	s5 =	sld [smem:$0x3FFD];
	_ =	sdelay $0x3  }
0x98: {  	_ =	strace s5  }
0x99: {  	_ =	strace $0x8FFFFFFF  }
0x9a: {  	s19 =	sld [smem:$0x3FDB];
	_ =	sdelay $0x1  }
0x9b: {  	s6 =	simm.s32 $_scs_section_size  }
0x9c: {  	s7 =	simm.s32 $_size__tile_overlayer_lowered;
	s8 =	simm.s32 $_tile_overlayer_lowered  }
0x9d: {  	s22 =	simm.s32 $0x1BFF;
	s21 =	sshll.u32 s8, $0x1;
	s5 =	sadd.s32 s6, s19  }
0x9e: {  	s9 =	simm.s32 $0x0;
	s20 =	sshll.u32 s7, $0x1;
	s7 =	sadd.s32 s21, s5  }
0x9f: {  	[timem:s9], [sflag:s22] =	dma.local [hbm:s7], s20  }
0xa0: {  	_ =	swait.ge [sflag:s22], s20  }
0xa1: {  	s6 =	ssub.s32 $0x0, s20;
	[sflag:s22] =	ssyncset.done $0x0  }
0xa2: {  	[sflag:s22] =	ssyncadd.s32 s6;
	_ =	sdelay $0x1  }
0xa3: {  	s23 =	simm.s32 $0x1B8B  }
0xa4: {  	_ =	swait.ge [sflag:s23], $0x1  }
0xa5: {  	[sflag:s23] =	ssyncset.done $0x0  }
0xa6: {  	s25 =	simm.s32 $0x1B8E;
	s24 =	sld [smem:$0x3FFE];
	[sflag:s23] =	ssyncadd.s32 $0xFFFFFFFF  }
0xa7: {  	s26 =	simm.s32 $execute0_lowered;
	[smem:$0x3FD2] =	sst s25  }
0xa8: {  	s7 =	sshll.u32 s26, $0x1;
	_ =	strace $0x80000046;
	[dreg:$0x1] =	wrdreg $0xFFFFFFFF  }
0xa9: {  	s28 =	simm.s32 $_size_execute0_lowered;
	s5 =	sadd.s32 s5, s7;
	[dreg:$0x0] =	wrdreg $0x0  }
0xaa: {  	s7 =	sshll.u32 s28, $0x1;
	[dreg:$0x2] =	wrdreg s5  }
0xab: {  	[dreg:$0x3] =	wrdreg s7  }
0xac: {  	[dreg:$0x4] =	wrdreg $0xC0  }
0xad: {  	_ =	task [dreg:s9], $0x5FFFF  }
0xae: {  	[dreg:$0x1] =	wrdreg $0xFFFFFFFF  }
0xaf: {  	[dreg:$0x0] =	wrdreg $0x60  }
0xb0: {  	[dreg:$0x2] =	wrdreg s24  }
0xb1: {  	[dreg:$0x3] =	wrdreg s2  }
0xb2: {  	[dreg:$0x4] =	wrdreg s18  }
0xb3: {  	[dreg:$0x5] =	wrdreg s4  }
0xb4: {  	[dreg:$0x6] =	wrdreg $0x9  }
0xb5: {  	_ =	task.clear_ibuf [dreg:s9], $0x7FFFF;
	_ =	strace $0x90000046  }
0xb6: {  	s29 =	simm.s32 $0x9;
	_ =	strace $0x80000048  }
0xb7: {  	_ =	swait.ge [sflag:s29], $0x1  }
0xb8: {  	[sflag:s29] =	ssyncadd.s32 $0xFFFFFFFF  }
0xb9: {  	_ =	strace $0x90000048  }
0xba: {  	_ =	sfence  }
0xbb: {  	s30 =	sld [smem:$0x0];
	_ =	sdelay $0x2  }
0xbc: {  	s31 =	sshll.u32 s1, $0xD;
	s1 =	sshrl.u32 s1, $0x2  }
0xbd: {  	s3 =	sand.u32 $0x4000, s31;
	s1 =	sadd.s32 s1, s30  }
0xbe: {  	s0 =	sor.u32 s3, s0;
	s1 =	sshll.u32 s1, $0x11  }
0xbf: {  	s0 =	sor.u32 s1, s0  }
0xc0: {  	s0 =	sadd.s32 $0x8F2B, s0  }
0xc1: {  	[sflag:s0] =	ssyncadd.remote.s32 $0x1  }
0xc2: {  	_ =	sfence.sel $0xFFFF  }
0xc3: {  	[dreg:$0x0] =	wrdreg $0xFFFFFFFF;
	(pc) =	sbr.abs _section_cstart, $3  }
0xc4: {  	[dreg:$0x1] =	wrdreg $0xFFFFFFFF  }
0xc5: {  	_ =	task.clear_ibuf [dreg:s9], $0x2FFFF;
	_ =	strace $0x9FFFFFFF  }
0xc6: {  	(tm) =	ssettm $0x7FFFFFFF  }
0xc7: {  	_ =	shalt  }
tec
execute0_lowered:
.L_overlay_start_1:
0x0: {  	(tag) =	ssettag $0x1  }
0x1: {  	s5 =	rddreg [dreg:$0x0]  }
0x2: {  	s7 =	rddreg [dreg:$0x1]  }
0x3: {  	s8 =	rddreg [dreg:$0x2]  }
0x4: {  	s1 =	srdreg.scid;
	s0 =	stileid.u32  }
0x5: {  	s9 =	rddreg [dreg:$0x3];
	s2 =	simm.s32 $0x0;
	s14 =	simm.s32 $0x20  }
0x6: {  	s15 =	simm.s32 $0x2BC0;
	s16 =	simm.s32 $0x2DC0;
	s17 =	simm.s32 $0x80  }
0x7: {  	s18 =	simm.s32 $0x1900;
	s19 =	simm.s32 $0x48;
	s20 =	simm.s32 $0x2100  }
0x8: {  	s21 =	simm.s32 $0x1;
	s22 =	simm.s32 $0x2580;
	s23 =	simm.s32 $0x0  }
0x9: {  	s4 =	sand.u32 $0x1, s1;
	s3 =	sshll.u32 s0, $0x1;
	[smem:$0x7FF] =	sst s2  }
0xa: {  	s1 =	rddreg [dreg:$0x4];
	s6 =	sor.u32 s4, s3;
	_ =	strace $0x80000047  }
0xb: {  	s11 =	ssub.s32 $0x2, s4;
	s4 =	sadd.s32 $0x2200, s5;
	s3 =	smul.u32 $0x320, s6  }
0xc: {  	s12 =	sshrl.u32 s11, $0x1;
	s31 =	sshll.u32 s6, $0x2;
	s13 =	smul.u32 $0xC0, s6  }
0xd: {  	s11 =	ssub.s32 s11, s12;
	s7 =	sadd.s32 s7, s31;
	s8 =	sadd.s32 s8, s31  }
0xe: {  	s12 =	simm.s32 $0x2B80;
	s10 =	sadd.s32 s3, s5;
	s3 =	sadd.s32 $0x9600, s5  }
0xf: {  	s5 =	sadd.s32 $0x2A00, s5;
	s9 =	sadd.s32 s9, s13;
	s13 =	simm.s32 $0x2BA0  }
0x10: {  	s6 =	sadd.s32 $0x3200, s10;
	s10 =	smax.u32 s11, $0x1;
	s11 =	simm.s32 $0x2  }
.LBB2_1:
0x11: {  	[tilespmem:s2], [sflag:$0x2] =	stream.linear.gather [hbm4b:s6+s2], $0x1900, $0x38;
	[tilespmem:$0x2FC0] =	vst v63  }
0x12: {  	_ =	swait.ge [sflag:s11], $0x1900  }
0x13: {  	[sflag:s11] =	ssyncset.done $0x0  }
0x14: {  	[sflag:s11] =	ssyncadd.s32 $0xFFFFE700  }
0x15: {  	[tilespmem:s12], [sflag:$0x2] =	stream.linear.gather [hbm4b:s7+s2], $0x20, $0x38;
	[tilespmem:$0x2FC0] =	vst v63  }
0x16: {  	_ =	swait.ge [sflag:s11], $0x20  }
0x17: {  	[sflag:s11] =	ssyncset.done $0x0  }
0x18: {  	[sflag:s11] =	ssyncadd.s32 $0xFFFFFFE0  }
0x19: {  	[tilespmem:s13], [sflag:$0x2] =	stream.linear.gather [hbm4b:s8+s2], $0x20, $0x38;
	[tilespmem:$0x2FC0] =	vst v63  }
0x1a: {  	_ =	swait.ge [sflag:s11], $0x20  }
0x1b: {  	[sflag:s11] =	ssyncset.done $0x0  }
0x1c: {  	[sflag:s11] =	ssyncadd.s32 $0xFFFFFFE0  }
0x1d: {  	[tilespmem:s15], [sflag:$0x1] =	stream.indirect.gather [hbm4b:s4+s14], $0x10, s12, s14, $0xb8;
	[tilespmem:$0x2FC0] =	vst v63  }
0x1e: {  	s24 =	simm.s32 $0x0;
	s25 =	simm.s32 $0x0  }
0x1f: {  	[tilespmem:s16], [sflag:$0x1] =	stream.indirect.gather [hbm4b:s5+s14], $0x10, s13, s14, $0xb8;
	[tilespmem:$0x2FC0] =	vst v63  }
.LBB2_2:
0x20: {  	[tilespmem:s18], [sflag:$0x1] =	stream.indirect.gather [hbm4b:s3+s17], $0x10, s24, s17, $0xb8;
	[tilespmem:$0x2FC0] =	vst v63  }
0x21: {  	s26 =	sadd.s32 $0x80, s24  }
0x22: {  	[tilespmem:s20], [sflag:$0x1] =	stream.indirect.gather [hbm4b:s3+s19], $0x10, s26, s19, $0xb8;
	[tilespmem:$0x2FC0] =	vst v63  }
0x23: {  	_ =	swait.ge [sflag:s21], $0x800  }
0x24: {  	[sflag:s21] =	ssyncset.done $0x0  }
0x25: {  	[sflag:s21] =	ssyncadd.s32 $0xFFFFF800  }
0x26: {  	_ =	swait.ge [sflag:s21], $0x480  }
0x27: {  	[sflag:s21] =	ssyncset.done $0x0  }
0x28: {  	[sflag:s21] =	ssyncadd.s32 $0xFFFFFB80  }
0x29: {  	v57 =	vld [tilespmem:$0x1CE0];
	_ =	sdelay $0x4  }
0x2a: {  	[tilespmem:$0x1FD40] =	vst v57;
	v57 =	vld [tilespmem:$0x1D00];
	_ =	sdelay $0x4  }
0x2b: {  	[tilespmem:$0x1FD50] =	vst v57;
	v57 =	vld [tilespmem:$0x1D10];
	_ =	sdelay $0x4  }
0x2c: {  	[tilespmem:$0x1FD60] =	vst v57;
	v57 =	vld [tilespmem:$0x1D20];
	_ =	sdelay $0x4  }
0x2d: {  	[tilespmem:$0x1FD70] =	vst v57;
	v57 =	vld [tilespmem:$0x1D30];
	_ =	sdelay $0x4  }
0x2e: {  	[tilespmem:$0x1FD80] =	vst v57;
	v57 =	vld [tilespmem:$0x1D40];
	_ =	sdelay $0x4  }
0x2f: {  	[tilespmem:$0x1FD90] =	vst v57;
	v57 =	vld [tilespmem:$0x1D50];
	_ =	sdelay $0x4  }
0x30: {  	[tilespmem:$0x1FDA0] =	vst v57;
	v57 =	vld [tilespmem:$0x1D60];
	_ =	sdelay $0x4  }
0x31: {  	[tilespmem:$0x1FDB0] =	vst v57;
	v57 =	vld [tilespmem:$0x1D70];
	_ =	sdelay $0x4  }
0x32: {  	[tilespmem:$0x1FDC0] =	vst v57;
	v57 =	vld [tilespmem:$0x1D80];
	_ =	sdelay $0x4  }
0x33: {  	[tilespmem:$0x1FDD0] =	vst v57;
	v57 =	vld [tilespmem:$0x1D90];
	_ =	sdelay $0x4  }
0x34: {  	[tilespmem:$0x1FDE0] =	vst v57;
	v57 =	vld [tilespmem:$0x1DA0];
	_ =	sdelay $0x4  }
0x35: {  	[tilespmem:$0x1FDF0] =	vst v57;
	v57 =	vld [tilespmem:$0x1DB0];
	_ =	sdelay $0x4  }
0x36: {  	[tilespmem:$0x1FE00] =	vst v57;
	v57 =	vld [tilespmem:$0x1DC0];
	_ =	sdelay $0x4  }
0x37: {  	[tilespmem:$0x1FE10] =	vst v57;
	v57 =	vld [tilespmem:$0x1DD0];
	_ =	sdelay $0x4  }
0x38: {  	[tilespmem:$0x1FE20] =	vst v57;
	v57 =	vld [tilespmem:$0x1DE0];
	_ =	sdelay $0x4  }
0x39: {  	[tilespmem:$0x1FE30] =	vst v57;
	v57 =	vld [tilespmem:$0x1DF0];
	_ =	sdelay $0x4  }
0x3a: {  	[tilespmem:$0x1FE40] =	vst v57;
	v57 =	vld [tilespmem:$0x1E00];
	_ =	sdelay $0x4  }
0x3b: {  	[tilespmem:$0x1FE50] =	vst v57;
	v57 =	vld [tilespmem:$0x1E10];
	_ =	sdelay $0x4  }
0x3c: {  	[tilespmem:$0x1FE60] =	vst v57;
	v57 =	vld [tilespmem:$0x1E20];
	_ =	sdelay $0x4  }
0x3d: {  	[tilespmem:$0x1FE70] =	vst v57;
	v57 =	vld [tilespmem:$0x1E30];
	_ =	sdelay $0x4  }
0x3e: {  	[tilespmem:$0x1FE80] =	vst v57;
	v57 =	vld [tilespmem:$0x1E40];
	_ =	sdelay $0x4  }
0x3f: {  	[tilespmem:$0x1FE90] =	vst v57;
	v57 =	vld [tilespmem:$0x1E50];
	_ =	sdelay $0x4  }
0x40: {  	[tilespmem:$0x1FEA0] =	vst v57;
	v57 =	vld [tilespmem:$0x1E60];
	_ =	sdelay $0x4  }
0x41: {  	[tilespmem:$0x1FEB0] =	vst v57;
	v57 =	vld [tilespmem:$0x1E70]  }
0x42: {  	v2 =	vld [tilespmem:$0x1900]  }
0x43: {  	v5 =	vld [tilespmem:$0x1910]  }
0x44: {  	v8 =	vld [tilespmem:$0x1920]  }
0x45: {  	v13 =	vld [tilespmem:$0x1930]  }
0x46: {  	[tilespmem:$0x1FEC0] =	vst v57;
	v57 =	vld [tilespmem:$0x1E80]  }
0x47: {  	v16 =	vld [tilespmem:$0x1940]  }
0x48: {  	v21 =	vld [tilespmem:$0x1950]  }
0x49: {  	v24 =	vld [tilespmem:$0x1960]  }
0x4a: {  	v29 =	vld [tilespmem:$0x1970]  }
0x4b: {  	[tilespmem:$0x1FED0] =	vst v57;
	v57 =	vld [tilespmem:$0x1E90]  }
0x4c: {  	v32 =	vld [tilespmem:$0x1980]  }
0x4d: {  	v37 =	vld [tilespmem:$0x1990]  }
0x4e: {  	v40 =	vld [tilespmem:$0x19A0]  }
0x4f: {  	v45 =	vld [tilespmem:$0x19B0]  }
0x50: {  	[tilespmem:$0x1FEE0] =	vst v57;
	v57 =	vld [tilespmem:$0x1EA0]  }
0x51: {  	v48 =	vld [tilespmem:$0x19C0]  }
0x52: {  	v53 =	vld [tilespmem:$0x19D0]  }
0x53: {  	v56 =	vld [tilespmem:$0x19E0]  }
0x54: {  	v61 =	vld [tilespmem:$0x19F0]  }
0x55: {  	[tilespmem:$0x1FEF0] =	vst v57;
	v57 =	vld [tilespmem:$0x1EB0]  }
0x56: {  	v0 =	vld [tilespmem:$0x1A00]  }
0x57: {  	v1 =	vld [tilespmem:$0x1A10]  }
0x58: {  	v3 =	vld [tilespmem:$0x1A20]  }
0x59: {  	v4 =	vld [tilespmem:$0x1A30]  }
0x5a: {  	[tilespmem:$0x1FF00] =	vst v57;
	v57 =	vld [tilespmem:$0x1EC0]  }
0x5b: {  	v6 =	vld [tilespmem:$0x1A40]  }
0x5c: {  	v7 =	vld [tilespmem:$0x1A50]  }
0x5d: {  	v9 =	vld [tilespmem:$0x1A60]  }
0x5e: {  	v10 =	vld [tilespmem:$0x1A70]  }
0x5f: {  	[tilespmem:$0x1FF10] =	vst v57;
	v57 =	vld [tilespmem:$0x1ED0]  }
0x60: {  	v11 =	vld [tilespmem:$0x1A80]  }
0x61: {  	v12 =	vld [tilespmem:$0x1A90]  }
0x62: {  	v14 =	vld [tilespmem:$0x1AA0]  }
0x63: {  	v15 =	vld [tilespmem:$0x1AB0]  }
0x64: {  	[tilespmem:$0x1FF20] =	vst v57;
	v57 =	vld [tilespmem:$0x1EE0]  }
0x65: {  	v17 =	vld [tilespmem:$0x1AC0]  }
0x66: {  	v18 =	vld [tilespmem:$0x1AD0]  }
0x67: {  	v19 =	vld [tilespmem:$0x1AE0]  }
0x68: {  	v20 =	vld [tilespmem:$0x1AF0]  }
0x69: {  	[tilespmem:$0x1FF30] =	vst v57;
	v57 =	vld [tilespmem:$0x1EF0]  }
0x6a: {  	v22 =	vld [tilespmem:$0x1B00]  }
0x6b: {  	v23 =	vld [tilespmem:$0x1B10]  }
0x6c: {  	v25 =	vld [tilespmem:$0x1B20]  }
0x6d: {  	v26 =	vld [tilespmem:$0x1B30]  }
0x6e: {  	[tilespmem:$0x1FF40] =	vst v57;
	v57 =	vld [tilespmem:$0x1F00]  }
0x6f: {  	v27 =	vld [tilespmem:$0x1B40]  }
0x70: {  	v28 =	vld [tilespmem:$0x1B50]  }
0x71: {  	v30 =	vld [tilespmem:$0x1B60]  }
0x72: {  	v31 =	vld [tilespmem:$0x1B70]  }
0x73: {  	[tilespmem:$0x1FF50] =	vst v57;
	v57 =	vld [tilespmem:$0x1F10]  }
0x74: {  	v33 =	vld [tilespmem:$0x1B80]  }
0x75: {  	v34 =	vld [tilespmem:$0x1B90]  }
0x76: {  	v35 =	vld [tilespmem:$0x1BA0]  }
0x77: {  	v36 =	vld [tilespmem:$0x1BB0]  }
0x78: {  	[tilespmem:$0x1FF60] =	vst v57;
	v57 =	vld [tilespmem:$0x1F20]  }
0x79: {  	v38 =	vld [tilespmem:$0x1BC0]  }
0x7a: {  	v39 =	vld [tilespmem:$0x1BD0]  }
0x7b: {  	v41 =	vld [tilespmem:$0x1BE0]  }
0x7c: {  	v42 =	vld [tilespmem:$0x1BF0]  }
0x7d: {  	[tilespmem:$0x1FF70] =	vst v57;
	v57 =	vld [tilespmem:$0x1F30]  }
0x7e: {  	v43 =	vld [tilespmem:$0x1C00]  }
0x7f: {  	v44 =	vld [tilespmem:$0x1C10]  }
0x80: {  	v46 =	vld [tilespmem:$0x1C20]  }
0x81: {  	v47 =	vld [tilespmem:$0x1C30]  }
0x82: {  	[tilespmem:$0x1FF80] =	vst v57;
	v57 =	vld [tilespmem:$0x1F40]  }
0x83: {  	v49 =	vld [tilespmem:$0x1C40];
	v2 =	vadd.f32 v16, v2  }
0x84: {  	v50 =	vld [tilespmem:$0x1C50]  }
0x85: {  	v51 =	vld [tilespmem:$0x1C60];
	v2 =	vadd.f32 v32, v2  }
0x86: {  	v52 =	vld [tilespmem:$0x1C70]  }
0x87: {  	v2 =	vadd.f32 v48, v2;
	[tilespmem:$0x1FF90] =	vst v57;
	v57 =	vld [tilespmem:$0x1F50]  }
0x88: {  	v54 =	vld [tilespmem:$0x1C80]  }
0x89: {  	v55 =	vld [tilespmem:$0x1C90];
	v0 =	vadd.f32 v0, v2  }
0x8a: {  	v62 =	vld [tilespmem:$0x1CA0]  }
0x8b: {  	v63 =	vld [tilespmem:$0x1CB0];
	v0 =	vadd.f32 v6, v0  }
0x8c: {  	[tilespmem:$0x1FFA0] =	vst v57;
	v57 =	vld [tilespmem:$0x1F60]  }
0x8d: {  	v59 =	vld [tilespmem:$0x1CC0];
	v0 =	vadd.f32 v11, v0  }
0x8e: {  	v60 =	vld [tilespmem:$0x1CD0]  }
0x8f: {  	v58 =	vld [tilespmem:$0x1CF0];
	v0 =	vadd.f32 v17, v0  }
0x90: {  	v16 =	vadd.f32 v21, v5;
	v5 =	vld [tilespmem:$0x1FB0]  }
0x91: {  	v21 =	vadd.f32 v24, v8;
	v0 =	vadd.f32 v22, v0;
	[tilespmem:$0x1FFB0] =	vst v57;
	v57 =	vld [tilespmem:$0x1F70]  }
0x92: {  	v8 =	vld [tilespmem:$0x1FC0];
	v37 =	vadd.f32 v37, v16  }
0x93: {  	v40 =	vadd.f32 v40, v21;
	v16 =	vld [tilespmem:$0x1FE0];
	v0 =	vadd.f32 v27, v0  }
0x94: {  	v21 =	vld [tilespmem:$0x1FF0]  }
0x95: {  	v32 =	vadd.f32 v56, v40;
	v40 =	vld [tilespmem:$0x2040];
	v0 =	vadd.f32 v33, v0  }
0x96: {  	[tilespmem:$0x1FFC0] =	vst v57;
	v57 =	vld [tilespmem:$0x1F80]  }
0x97: {  	v48 =	vld [tilespmem:$0x2060];
	v0 =	vadd.f32 v38, v0  }
0x98: {  	v6 =	vld [tilespmem:$0x20B0]  }
0x99: {  	v11 =	vld [tilespmem:$0x20F0];
	v0 =	vadd.f32 v43, v0  }
0x9a: {  	v17 =	vld [tilespmem:$0x2130]  }
0x9b: {  	v0 =	vadd.f32 v49, v0;
	[tilespmem:$0x1FFD0] =	vst v57;
	v57 =	vld [tilespmem:$0x1F90]  }
0x9c: {  	v22 =	vld [tilespmem:$0x2170]  }
0x9d: {  	v27 =	vld [tilespmem:$0x21B0];
	v0 =	vadd.f32 v54, v0  }
0x9e: {  	v54 =	vld [tilespmem:$0x1FD40]  }
0x9f: {  	v0 =	vadd.f32 v59, v0;
	v59 =	vld [tilespmem:$0x1FD80]  }
0xa0: {  	[tilespmem:$0x1FFE0] =	vst v57;
	v57 =	vld [tilespmem:$0x1FA0]  }
0xa1: {  	v33 =	vld [tilespmem:$0x1FDC0]  }
0xa2: {  	v38 =	vld [tilespmem:$0x1FE00]  }
0xa3: {  	v43 =	vld [tilespmem:$0x1FE40]  }
0xa4: {  	v49 =	vld [tilespmem:$0x1FE80]  }
0xa5: {  	[tilespmem:$0x1FFF0] =	vst v57;
	v57 =	vadd.f32 v29, v13;
	v13 =	vld [tilespmem:$0x1FD0]  }
0xa6: {  	v29 =	vadd.f32 v53, v37;
	v37 =	vld [tilespmem:$0x2030]  }
0xa7: {  	v53 =	vld [tilespmem:$0x2070]  }
0xa8: {  	v1 =	vadd.f32 v1, v29;
	v29 =	vld [tilespmem:$0x2010]  }
0xa9: {  	v24 =	vadd.f32 v45, v57;
	v57 =	vadd.f32 v3, v32;
	v32 =	vld [tilespmem:$0x2020]  }
0xaa: {  	v45 =	vld [tilespmem:$0x2050]  }
0xab: {  	v56 =	vadd.f32 v61, v24;
	v24 =	vld [tilespmem:$0x2000]  }
0xac: {  	v1 =	vadd.f32 v7, v1;
	v7 =	vld [tilespmem:$0x20C0]  }
0xad: {  	v2 =	vadd.f32 v9, v57;
	v9 =	vld [tilespmem:$0x20D0]  }
0xae: {  	v57 =	vld [tilespmem:$0x1FD60]  }
0xaf: {  	v61 =	vadd.f32 v4, v56;
	v56 =	vld [tilespmem:$0x2080]  }
0xb0: {  	v1 =	vadd.f32 v12, v1;
	v12 =	vld [tilespmem:$0x2100]  }
0xb1: {  	v2 =	vadd.f32 v14, v2;
	v14 =	vld [tilespmem:$0x2110]  }
0xb2: {  	v3 =	vadd.f32 v10, v61;
	v61 =	vld [tilespmem:$0x2090]  }
0xb3: {  	v10 =	vld [tilespmem:$0x20E0]  }
0xb4: {  	v1 =	vadd.f32 v18, v1;
	v2 =	vadd.f32 v19, v2;
	v18 =	vld [tilespmem:$0x2140]  }
0xb5: {  	v19 =	vld [tilespmem:$0x2150]  }
0xb6: {  	v25 =	vadd.f32 v25, v2;
	v2 =	vld [tilespmem:$0x20A0]  }
0xb7: {  	v3 =	vadd.f32 v15, v3;
	v15 =	vld [tilespmem:$0x2120]  }
0xb8: {  	v1 =	vadd.f32 v23, v1;
	v23 =	vld [tilespmem:$0x2180]  }
0xb9: {  	v3 =	vadd.f32 v20, v3;
	v20 =	vld [tilespmem:$0x2160]  }
0xba: {  	v4 =	vadd.f32 v30, v25;
	v25 =	vld [tilespmem:$0x2190]  }
0xbb: {  	v1 =	vadd.f32 v28, v1;
	v28 =	vld [tilespmem:$0x21C0]  }
0xbc: {  	v30 =	vld [tilespmem:$0x21D0]  }
0xbd: {  	v3 =	vadd.f32 v26, v3;
	v26 =	vld [tilespmem:$0x21A0]  }
0xbe: {  	v1 =	vadd.f32 v34, v1;
	v34 =	vld [tilespmem:$0x1FDD0]  }
0xbf: {  	v4 =	vadd.f32 v35, v4;
	v35 =	vld [tilespmem:$0x1FDE0]  }
0xc0: {  	v3 =	vadd.f32 v31, v3;
	v31 =	vld [tilespmem:$0x21E0]  }
0xc1: {  	v1 =	vadd.f32 v39, v1;
	v39 =	vld [tilespmem:$0x1FE10]  }
0xc2: {  	v4 =	vadd.f32 v41, v4;
	v41 =	vld [tilespmem:$0x1FE20]  }
0xc3: {  	v3 =	vadd.f32 v36, v3;
	v36 =	vld [tilespmem:$0x1FDF0]  }
0xc4: {  	v1 =	vadd.f32 v44, v1;
	v44 =	vld [tilespmem:$0x1FE50]  }
0xc5: {  	v4 =	vadd.f32 v46, v4;
	v46 =	vld [tilespmem:$0x1FE60]  }
0xc6: {  	v3 =	vadd.f32 v42, v3;
	v42 =	vld [tilespmem:$0x1FE30]  }
0xc7: {  	v1 =	vadd.f32 v50, v1;
	v50 =	vld [tilespmem:$0x1FE90]  }
0xc8: {  	v4 =	vadd.f32 v51, v4;
	v51 =	vld [tilespmem:$0x1FEA0]  }
0xc9: {  	v1 =	vadd.f32 v55, v1;
	v55 =	vld [tilespmem:$0x1FD50]  }
0xca: {  	v4 =	vadd.f32 v62, v4;
	v62 =	vld [tilespmem:$0x1FDA0]  }
0xcb: {  	v3 =	vadd.f32 v47, v3;
	v47 =	vld [tilespmem:$0x1FE70]  }
0xcc: {  	v1 =	vadd.f32 v60, v1;
	v60 =	vld [tilespmem:$0x1FD90]  }
0xcd: {  	v3 =	vadd.f32 v52, v3;
	v52 =	vld [tilespmem:$0x1FEB0]  }
0xce: {  	v4 =	vadd.f32 v54, v4;
	v54 =	vld [tilespmem:$0x1FEC0]  }
0xcf: {  	v3 =	vadd.f32 v63, v3;
	v63 =	vld [tilespmem:$0x1FDB0]  }
0xd0: {  	v1 =	vadd.f32 v57, v1;
	v57 =	vld [tilespmem:$0x1FEE0]  }
0xd1: {  	v0 =	vadd.f32 v55, v0;
	v55 =	vld [tilespmem:$0x1FED0]  }
0xd2: {  	v3 =	vadd.f32 v58, v3;
	v58 =	vld [tilespmem:$0x1FD70]  }
0xd3: {  	v1 =	vadd.f32 v62, v1;
	v62 =	vld [tilespmem:$0x1FF20]  }
0xd4: {  	v0 =	vadd.f32 v60, v0;
	v60 =	vld [tilespmem:$0x1FF10]  }
0xd5: {  	v1 =	vadd.f32 v35, v1;
	v35 =	vld [tilespmem:$0x2210]  }
0xd6: {  	v3 =	vadd.f32 v59, v3;
	v59 =	vld [tilespmem:$0x1FF00]  }
0xd7: {  	v0 =	vadd.f32 v34, v0;
	v34 =	vld [tilespmem:$0x2200]  }
0xd8: {  	v3 =	vadd.f32 v33, v3;
	v33 =	vld [tilespmem:$0x21F0]  }
0xd9: {  	v1 =	vadd.f32 v41, v1;
	v41 =	vld [tilespmem:$0x2250]  }
0xda: {  	v0 =	vadd.f32 v39, v0;
	v39 =	vld [tilespmem:$0x2240]  }
0xdb: {  	v4 =	vadd.f32 v58, v4;
	v58 =	vld [tilespmem:$0x1FEF0]  }
0xdc: {  	v3 =	vadd.f32 v38, v3;
	v38 =	vld [tilespmem:$0x2230]  }
0xdd: {  	v1 =	vadd.f32 v46, v1;
	v46 =	vld [tilespmem:$0x2290]  }
0xde: {  	v4 =	vadd.f32 v63, v4;
	v63 =	vld [tilespmem:$0x1FF30]  }
0xdf: {  	v0 =	vadd.f32 v44, v0;
	v44 =	vld [tilespmem:$0x2280]  }
0xe0: {  	v3 =	vadd.f32 v43, v3;
	v43 =	vld [tilespmem:$0x2270]  }
0xe1: {  	v1 =	vadd.f32 v51, v1;
	v51 =	vld [tilespmem:$0x1FF60]  }
0xe2: {  	v4 =	vadd.f32 v36, v4;
	v36 =	vld [tilespmem:$0x2220]  }
0xe3: {  	v0 =	vadd.f32 v50, v0;
	v50 =	vld [tilespmem:$0x1FF50]  }
0xe4: {  	v3 =	vadd.f32 v49, v3;
	v49 =	vld [tilespmem:$0x1FF40]  }
0xe5: {  	v1 =	vadd.f32 v57, v1;
	v57 =	vld [tilespmem:$0x1FFA0];
	v4 =	vadd.f32 v42, v4  }
0xe6: {  	v42 =	vld [tilespmem:$0x2260]  }
0xe7: {  	v0 =	vadd.f32 v55, v0;
	v55 =	vld [tilespmem:$0x1FF90];
	v4 =	vadd.f32 v47, v4  }
0xe8: {  	v3 =	vadd.f32 v54, v3;
	v54 =	vld [tilespmem:$0x1FF80]  }
0xe9: {  	v1 =	vadd.f32 v62, v1;
	v62 =	vld [tilespmem:$0x1FFE0];
	v4 =	vadd.f32 v52, v4  }
0xea: {  	v52 =	vld [tilespmem:$0x1FF70]  }
0xeb: {  	v3 =	vadd.f32 v59, v3;
	v59 =	vld [tilespmem:$0x1FFC0];
	v4 =	vadd.f32 v58, v4  }
0xec: {  	v0 =	vadd.f32 v60, v0;
	v58 =	vld [tilespmem:$0x1FFB0]  }
0xed: {  	v60 =	vld [tilespmem:$0x1FFD0];
	v3 =	vadd.f32 v49, v3;
	v4 =	vadd.f32 v63, v4  }
0xee: {  	v1 =	vadd.f32 v51, v1;
	v0 =	vadd.f32 v50, v0;
	v63 =	vld [tilespmem:$0x1FFF0]  }
0xef: {  	v47 =	vld [tilespmem:$0x22A0];
	v3 =	vadd.f32 v54, v3;
	v4 =	vadd.f32 v52, v4  }
0xf0: {  	v51 =	vld [tilespmem:$0x22D0];
	v1 =	vadd.f32 v57, v1;
	v0 =	vadd.f32 v55, v0  }
0xf1: {  	v50 =	vld [tilespmem:$0x22C0];
	v3 =	vadd.f32 v59, v3;
	v4 =	vadd.f32 v58, v4  }
0xf2: {  	v49 =	vld [tilespmem:$0x22B0];
	v1 =	vadd.f32 v62, v1;
	v0 =	vadd.f32 v60, v0  }
0xf3: {  	v57 =	vld [tilespmem:$0x2380];
	v3 =	vadd.f32 v5, v3;
	v4 =	vadd.f32 v63, v4  }
0xf4: {  	v55 =	vld [tilespmem:$0x2360];
	v1 =	vadd.f32 v13, v1;
	v0 =	vadd.f32 v8, v0  }
0xf5: {  	v54 =	vld [tilespmem:$0x2350];
	v3 =	vadd.f32 v21, v3;
	v4 =	vadd.f32 v16, v4  }
0xf6: {  	v62 =	vld [tilespmem:$0x23D0];
	v1 =	vadd.f32 v29, v1;
	v0 =	vadd.f32 v24, v0  }
0xf7: {  	v60 =	vld [tilespmem:$0x23B0];
	v3 =	vadd.f32 v37, v3;
	v4 =	vadd.f32 v32, v4  }
0xf8: {  	v13 =	vld [tilespmem:$0x2300];
	v1 =	vadd.f32 v45, v1;
	v0 =	vadd.f32 v40, v0  }
0xf9: {  	v59 =	vld [tilespmem:$0x23A0];
	v3 =	vadd.f32 v53, v3;
	v4 =	vadd.f32 v48, v4  }
0xfa: {  	v8 =	vld [tilespmem:$0x22F0];
	v1 =	vadd.f32 v61, v1;
	v0 =	vadd.f32 v56, v0  }
0xfb: {  	v52 =	vld [tilespmem:$0x2330];
	v3 =	vadd.f32 v6, v3;
	v2 =	vadd.f32 v2, v4  }
0xfc: {  	v5 =	vld [tilespmem:$0x22E0];
	v1 =	vadd.f32 v9, v1;
	v0 =	vadd.f32 v7, v0  }
0xfd: {  	v58 =	vld [tilespmem:$0x2390];
	v3 =	vadd.f32 v11, v3;
	v2 =	vadd.f32 v10, v2  }
0xfe: {  	v21 =	vld [tilespmem:$0x2320];
	v1 =	vadd.f32 v14, v1;
	v0 =	vadd.f32 v12, v0  }
0xff: {  	v45 =	vld [tilespmem:$0x2460];
	v3 =	vadd.f32 v17, v3;
	v2 =	vadd.f32 v15, v2  }
0x100: {  	v63 =	vld [tilespmem:$0x23E0];
	v1 =	vadd.f32 v19, v1;
	v0 =	vadd.f32 v18, v0  }
0x101: {  	v40 =	vld [tilespmem:$0x2420];
	v3 =	vadd.f32 v22, v3;
	v2 =	vadd.f32 v20, v2  }
0x102: {  	v61 =	vld [tilespmem:$0x23C0];
	v1 =	vadd.f32 v25, v1;
	v0 =	vadd.f32 v23, v0  }
0x103: {  	v37 =	vld [tilespmem:$0x2410];
	v3 =	vadd.f32 v27, v3;
	v2 =	vadd.f32 v26, v2  }
0x104: {  	v16 =	vld [tilespmem:$0x2310];
	v1 =	vadd.f32 v30, v1;
	v0 =	vadd.f32 v28, v0  }
0x105: {  	v56 =	vld [tilespmem:$0x2370];
	v3 =	vadd.f32 v33, v3;
	v2 =	vadd.f32 v31, v2  }
0x106: {  	v53 =	vld [tilespmem:$0x2340];
	v1 =	vadd.f32 v35, v1;
	v0 =	vadd.f32 v34, v0  }
0x107: {  	v48 =	vld [tilespmem:$0x2490];
	v3 =	vadd.f32 v38, v3;
	v2 =	vadd.f32 v36, v2  }
0x108: {  	v30 =	vld [tilespmem:$0x23F0];
	v1 =	vadd.f32 v41, v1;
	v0 =	vadd.f32 v39, v0  }
0x109: {  	v33 =	vld [tilespmem:$0x2400];
	v3 =	vadd.f32 v43, v3;
	v2 =	vadd.f32 v42, v2  }
0x10a: {  	v41 =	vld [tilespmem:$0x2430];
	v1 =	vadd.f32 v46, v1;
	v0 =	vadd.f32 v44, v0  }
0x10b: {  	v46 =	vld [tilespmem:$0x2470];
	v3 =	vadd.f32 v49, v3;
	v2 =	vadd.f32 v47, v2  }
0x10c: {  	v44 =	vld [tilespmem:$0x2450];
	v1 =	vadd.f32 v51, v1;
	v0 =	vadd.f32 v50, v0  }
0x10d: {  	v43 =	vld [tilespmem:$0x2440];
	v3 =	vadd.f32 v8, v3;
	v2 =	vadd.f32 v5, v2  }
0x10e: {  	v51 =	vld [tilespmem:$0x24C0];
	v1 =	vadd.f32 v16, v1;
	v0 =	vadd.f32 v13, v0  }
0x10f: {  	v50 =	vld [tilespmem:$0x24B0];
	v3 =	vadd.f32 v52, v3;
	v2 =	vadd.f32 v21, v2  }
0x110: {  	v49 =	vld [tilespmem:$0x24A0];
	v1 =	vadd.f32 v54, v1;
	v0 =	vadd.f32 v53, v0  }
0x111: {  	v54 =	vld [tilespmem:$0x24F0];
	v3 =	vadd.f32 v56, v3;
	v2 =	vadd.f32 v55, v2  }
0x112: {  	v47 =	vld [tilespmem:$0x2480];
	v1 =	vadd.f32 v58, v1;
	v0 =	vadd.f32 v57, v0  }
0x113: {  	v53 =	vld [tilespmem:$0x24E0];
	v3 =	vadd.f32 v60, v3;
	v2 =	vadd.f32 v59, v2  }
0x114: {  	v52 =	vld [tilespmem:$0x24D0];
	v1 =	vadd.f32 v62, v1;
	v0 =	vadd.f32 v61, v0  }
0x115: {  	v58 =	vld [tilespmem:$0x2530];
	v3 =	vadd.f32 v30, v3;
	v2 =	vadd.f32 v63, v2  }
0x116: {  	v57 =	vld [tilespmem:$0x2520];
	v1 =	vadd.f32 v37, v1;
	v0 =	vadd.f32 v33, v0  }
0x117: {  	v56 =	vld [tilespmem:$0x2510];
	v3 =	vadd.f32 v41, v3;
	v2 =	vadd.f32 v40, v2  }
0x118: {  	v62 =	vld [tilespmem:$0x2570];
	v1 =	vadd.f32 v44, v1;
	v0 =	vadd.f32 v43, v0  }
0x119: {  	v55 =	vld [tilespmem:$0x2500];
	v3 =	vadd.f32 v46, v3;
	v2 =	vadd.f32 v45, v2  }
0x11a: {  	v60 =	vld [tilespmem:$0x2550];
	v1 =	vadd.f32 v48, v1;
	v0 =	vadd.f32 v47, v0  }
0x11b: {  	v59 =	vld [tilespmem:$0x2540];
	v3 =	vadd.f32 v50, v3;
	v2 =	vadd.f32 v49, v2  }
0x11c: {  	v61 =	vld [tilespmem:$0x2560];
	v1 =	vadd.f32 v52, v1;
	v0 =	vadd.f32 v51, v0  }
0x11d: {  	v3 =	vadd.f32 v54, v3;
	v2 =	vadd.f32 v53, v2  }
0x11e: {  	v1 =	vadd.f32 v56, v1;
	v0 =	vadd.f32 v55, v0  }
0x11f: {  	v3 =	vadd.f32 v58, v3;
	v2 =	vadd.f32 v57, v2  }
0x120: {  	v1 =	vadd.f32 v60, v1;
	v0 =	vadd.f32 v59, v0  }
0x121: {  	v3 =	vadd.f32 v62, v3;
	v2 =	vadd.f32 v61, v2  }
0x122: {  	p0 =	sne.s32 s25, $0x1740  }
.Ltmp0:
0x123: {  	v0 =	vadd.f32 v1, v0;
	v63 =	vadd.f32 v3, v2;
	(pc) =	sbr.rel @p0 .LBB2_2-.Ltmp0, $4  }
0x124: {  	_ = 	snop  }
0x125: {  	v0 =	vadd.f32 v63, v0  }
0x126: {  	s31 =	sshra.s32 s25, $0x2  }
0x127: {  	s24 =	sadd.s32 $0xC8, s24;
	s25 =	sadd.s32 $0xC0, s25;
	[tilespmem:s31+$0x2580] =	vst v0  }
0x128: {  	_ =	swait.ge [sflag:s21], $0x200  }
0x129: {  	[sflag:s21] =	ssyncset.done $0x0  }
0x12a: {  	[sflag:s21] =	ssyncadd.s32 $0xFFFFFE00  }
0x12b: {  	_ =	swait.ge [sflag:s21], $0x200  }
0x12c: {  	[sflag:s21] =	ssyncset.done $0x0  }
0x12d: {  	[sflag:s21] =	ssyncadd.s32 $0xFFFFFE00  }
0x12e: {  	v0 =	vld [tilespmem:$0x2BC0]  }
0x12f: {  	v1 =	vld [tilespmem:$0x2DC0]  }
0x130: {  	v2 =	vld [tilespmem:$0x2BD0]  }
0x131: {  	v3 =	vld [tilespmem:$0x2DD0]  }
0x132: {  	v4 =	vld [tilespmem:$0x2BE0]  }
0x133: {  	v61 =	vld [tilespmem:$0x2DE0];
	[tilespmem:$0x2590] =	vst v0  }
0x134: {  	v62 =	vld [tilespmem:$0x2BF0];
	[tilespmem:$0x25A0] =	vst v1  }
0x135: {  	v63 =	vld [tilespmem:$0x2DF0];
	[tilespmem:$0x25C0] =	vst v2  }
0x136: {  	v8 =	vld [tilespmem:$0x2C00];
	[tilespmem:$0x25D0] =	vst v3  }
0x137: {  	v9 =	vld [tilespmem:$0x2E00];
	[tilespmem:$0x25F0] =	vst v4  }
0x138: {  	v10 =	vld [tilespmem:$0x2C10];
	[tilespmem:$0x2600] =	vst v61  }
0x139: {  	v11 =	vld [tilespmem:$0x2E10];
	[tilespmem:$0x2620] =	vst v62  }
0x13a: {  	v12 =	vld [tilespmem:$0x2C20];
	[tilespmem:$0x2630] =	vst v63  }
0x13b: {  	v13 =	vld [tilespmem:$0x2E20];
	[tilespmem:$0x2650] =	vst v8  }
0x13c: {  	v14 =	vld [tilespmem:$0x2C30];
	[tilespmem:$0x2660] =	vst v9  }
0x13d: {  	v15 =	vld [tilespmem:$0x2E30];
	[tilespmem:$0x2680] =	vst v10  }
0x13e: {  	v16 =	vld [tilespmem:$0x2C40];
	[tilespmem:$0x2690] =	vst v11  }
0x13f: {  	v17 =	vld [tilespmem:$0x2E40];
	[tilespmem:$0x26B0] =	vst v12  }
0x140: {  	v18 =	vld [tilespmem:$0x2C50];
	[tilespmem:$0x26C0] =	vst v13  }
0x141: {  	v19 =	vld [tilespmem:$0x2E50];
	[tilespmem:$0x26E0] =	vst v14  }
0x142: {  	v20 =	vld [tilespmem:$0x2C60];
	[tilespmem:$0x26F0] =	vst v15  }
0x143: {  	v21 =	vld [tilespmem:$0x2E60];
	[tilespmem:$0x2710] =	vst v16  }
0x144: {  	v22 =	vld [tilespmem:$0x2C70];
	[tilespmem:$0x2720] =	vst v17  }
0x145: {  	v23 =	vld [tilespmem:$0x2E70];
	[tilespmem:$0x2740] =	vst v18  }
0x146: {  	v24 =	vld [tilespmem:$0x2C80];
	[tilespmem:$0x2750] =	vst v19  }
0x147: {  	v25 =	vld [tilespmem:$0x2E80];
	[tilespmem:$0x2770] =	vst v20  }
0x148: {  	v26 =	vld [tilespmem:$0x2C90];
	[tilespmem:$0x2780] =	vst v21  }
0x149: {  	v27 =	vld [tilespmem:$0x2E90];
	[tilespmem:$0x27A0] =	vst v22  }
0x14a: {  	v28 =	vld [tilespmem:$0x2CA0];
	[tilespmem:$0x27B0] =	vst v23  }
0x14b: {  	v29 =	vld [tilespmem:$0x2EA0];
	[tilespmem:$0x27D0] =	vst v24  }
0x14c: {  	v30 =	vld [tilespmem:$0x2CB0];
	[tilespmem:$0x27E0] =	vst v25  }
0x14d: {  	v31 =	vld [tilespmem:$0x2EB0];
	[tilespmem:$0x2800] =	vst v26  }
0x14e: {  	v32 =	vld [tilespmem:$0x2CC0];
	[tilespmem:$0x2810] =	vst v27  }
0x14f: {  	v33 =	vld [tilespmem:$0x2EC0];
	[tilespmem:$0x2830] =	vst v28  }
0x150: {  	v34 =	vld [tilespmem:$0x2CD0];
	[tilespmem:$0x2840] =	vst v29  }
0x151: {  	v35 =	vld [tilespmem:$0x2ED0];
	[tilespmem:$0x2860] =	vst v30  }
0x152: {  	v36 =	vld [tilespmem:$0x2CE0];
	[tilespmem:$0x2870] =	vst v31  }
0x153: {  	v37 =	vld [tilespmem:$0x2EE0];
	[tilespmem:$0x2890] =	vst v32  }
0x154: {  	v38 =	vld [tilespmem:$0x2CF0];
	[tilespmem:$0x28A0] =	vst v33  }
0x155: {  	v39 =	vld [tilespmem:$0x2EF0];
	[tilespmem:$0x28C0] =	vst v34  }
0x156: {  	v40 =	vld [tilespmem:$0x2D00];
	[tilespmem:$0x28D0] =	vst v35  }
0x157: {  	v41 =	vld [tilespmem:$0x2F00];
	[tilespmem:$0x28F0] =	vst v36  }
0x158: {  	v42 =	vld [tilespmem:$0x2D10];
	[tilespmem:$0x2900] =	vst v37  }
0x159: {  	v43 =	vld [tilespmem:$0x2F10];
	[tilespmem:$0x2920] =	vst v38  }
0x15a: {  	v44 =	vld [tilespmem:$0x2D20];
	[tilespmem:$0x2930] =	vst v39  }
0x15b: {  	v45 =	vld [tilespmem:$0x2F20];
	[tilespmem:$0x2950] =	vst v40  }
0x15c: {  	v46 =	vld [tilespmem:$0x2D30];
	[tilespmem:$0x2960] =	vst v41  }
0x15d: {  	v47 =	vld [tilespmem:$0x2F30];
	[tilespmem:$0x2980] =	vst v42  }
0x15e: {  	v48 =	vld [tilespmem:$0x2D40];
	[tilespmem:$0x2990] =	vst v43  }
0x15f: {  	v49 =	vld [tilespmem:$0x2F40];
	[tilespmem:$0x29B0] =	vst v44  }
0x160: {  	v50 =	vld [tilespmem:$0x2D50];
	[tilespmem:$0x29C0] =	vst v45  }
0x161: {  	v51 =	vld [tilespmem:$0x2F50];
	[tilespmem:$0x29E0] =	vst v46  }
0x162: {  	v52 =	vld [tilespmem:$0x2D60];
	[tilespmem:$0x29F0] =	vst v47  }
0x163: {  	v53 =	vld [tilespmem:$0x2F60];
	[tilespmem:$0x2A10] =	vst v48  }
0x164: {  	v54 =	vld [tilespmem:$0x2D70];
	[tilespmem:$0x2A20] =	vst v49  }
0x165: {  	v55 =	vld [tilespmem:$0x2F70];
	[tilespmem:$0x2A40] =	vst v50  }
0x166: {  	v56 =	vld [tilespmem:$0x2D80];
	[tilespmem:$0x2A50] =	vst v51  }
0x167: {  	v57 =	vld [tilespmem:$0x2F80];
	[tilespmem:$0x2A70] =	vst v52  }
0x168: {  	v58 =	vld [tilespmem:$0x2D90];
	[tilespmem:$0x2A80] =	vst v53  }
0x169: {  	v59 =	vld [tilespmem:$0x2F90];
	[tilespmem:$0x2AA0] =	vst v54  }
0x16a: {  	v60 =	vld [tilespmem:$0x2DA0];
	[tilespmem:$0x2AB0] =	vst v55  }
0x16b: {  	[tilespmem:$0x2AD0] =	vst v56;
	v61 =	vld [tilespmem:$0x2FA0]  }
0x16c: {  	[tilespmem:$0x2AE0] =	vst v57;
	v62 =	vld [tilespmem:$0x2DB0]  }
0x16d: {  	[tilespmem:$0x2B00] =	vst v58;
	v63 =	vld [tilespmem:$0x2FB0]  }
0x16e: {  	[tilespmem:$0x2B10] =	vst v59  }
0x16f: {  	[tilespmem:$0x2B30] =	vst v60  }
0x170: {  	s23 =	sadd.s32 $0x1, s23;
	[tilespmem:$0x2B40] =	vst v61  }
0x171: {  	p0 =	sne.s32 s23, s10;
	[tilespmem:$0x2B60] =	vst v62  }
.Ltmp1:
0x172: {  	[tilespmem:$0x2B70] =	vst v63;
	(pc) =	sbr.rel @p0 .LBB2_1-.Ltmp1, $4  }
0x173: {  	[hbm4b:s9+s2] =	stream.linear.scatter [tilespmem:s22], [sflag:$0x2], $0x600, $0x38;
	[tilespmem:$0x2FC0] =	vst v63  }
0x174: {  	_ =	swait.ge [sflag:s11], $0x600  }
0x175: {  	[sflag:s11] =	ssyncset.done $0x0  }
0x176: {  	[sflag:s11] =	ssyncadd.s32 $0xFFFFFA00  }
0x177: {  	_ =	sfence.sel $0x180000  }
0x178: {  	[bflag:$0x0] =	sbarrier.arrive $0xFFFF  }
0x179: {  	p0 =	sne.s32 s0, $0x0;
	_ =	strace $0x90000047  }
0x17a: {  	s0 =	sadd.s32 @!p0 $0x100000, s1;
	[bflag:$0x2] =	sbarrier.arrive $0xFFFF  }
0x17b: {  	[sflag:s0] =	ssyncadd.tile.s32 @!p0 $0x1;
	_ =	shalt  }
.Lfunc_end2:
_tile_overlayer_lowered:
.L_overlay_start_2:
0x17c: {  	(tag) =	ssettag $0x2  }
0x17d: {  	s0 =	rddreg [dreg:$0x0];
	s2 =	stileid.u32  }
0x17e: {  	s1 =	rddreg [dreg:$0x1];
	p0 =	sne.s32 s2, $0x0  }
0x17f: {  	s3 =	rddreg [dreg:$0x2];
	[bflag:$0x3] =	sbarrier.arrive $0xFFFF;
	s2 =	simm.s32 @!p0 $0x1C02  }
0x180: {  	[timem:s3], [sflag:s2] =	dma.local @!p0 [hbm:s0], s1  }
0x181: {  	s0 =	simm.s32 @!p0 $0x2  }
0x182: {  	_ =	swait.ge @!p0 [sflag:s0], s1  }
0x183: {  	s1 =	ssub.s32 @!p0 $0x0, s1;
	[sflag:s0] =	ssyncset.done @!p0 $0x0  }
0x184: {  	[sflag:s0] =	ssyncadd.s32 @!p0 s1  }
0x185: {  	[bflag:$0x3] =	sbarrier.arrive $0xFFFF  }
0x186: {  	_ =	shalt  }

</sc_bundles>
